<compile_context>
chip_gen: v7x
topology: tpu7x:2x2x1
jax: 0.10.2.dev20260603
libtpu: 0.0.44.dev20260713+nightly
codegen_flags: <defaults>
</compile_context>

<pallas_src>
import jax
import jax.numpy as jnp
from jax.experimental import pallas as pl

_MAX_HITS = 32
_FIXED = 128
_MAX_STEPS = 160
_MAX_DEPTH = 10000.0
_BLOCK_R = 128

_DN0 = (((0,), (0,)), ((), ()))


def _cumsum_sub(x, n):
    sh = 1
    while sh < n:
        x = x + jnp.concatenate([jnp.zeros_like(x[:sh]), x[:-sh]], axis=0)
        sh *= 2
    return x


def _body(ro_ref, rdir_ref, vi_ref, tn_ref, tf_ref,
          px_ref, py_ref, pz_ref, vout_ref, dout_ref, sout_ref):
    R = tn_ref.shape[0]
    tn = jnp.transpose(tn_ref[...])
    tf = jnp.transpose(tf_ref[...])
    vi = jnp.transpose(vi_ref[...])
    vif = vi.astype(jnp.float32)

    rng = jnp.where(vi == -1, 0.0, tf - tn)
    total = jnp.sum(rng, axis=0, keepdims=True)
    prob = rng / total
    cdf = _cumsum_sub(prob, _MAX_HITS)
    pclip = jnp.maximum(prob, 1e-12)
    s = (tf - tn) / pclip
    cdf_prev = jnp.concatenate([jnp.zeros_like(cdf[:1]), cdf[:-1]], axis=0)
    c = tn - cdf_prev * s

    u = (jax.lax.broadcasted_iota(jnp.int32, (_FIXED, R), 0).astype(jnp.float32)
         + 0.5) * (1.0 / _FIXED)
    c_g = jnp.broadcast_to(c[0:1], (_FIXED, R))
    s_g = jnp.broadcast_to(s[0:1], (_FIXED, R))
    v_g = jnp.broadcast_to(vif[0:1], (_FIXED, R))
    for k in range(_MAX_HITS - 1):
        ind = u >= cdf[k:k + 1]
        c_g = jnp.where(ind, c[k + 1:k + 2], c_g)
        s_g = jnp.where(ind, s[k + 1:k + 2], s_g)
        v_g = jnp.where(ind, vif[k + 1:k + 2], v_g)
    t_raw = c_g + s_g * u

    u128 = (_FIXED + 0.5) / _FIXED
    t128 = c[_MAX_HITS - 1:] + s[_MAX_HITS - 1:] * u128
    nxt = jnp.concatenate([t_raw[1:], t128], axis=0)
    prv = jnp.concatenate([t_raw[:1], t_raw[:-1]], axis=0)
    dist = jnp.maximum((nxt - prv) * 0.5, 0.0)

    depth = jnp.transpose(t_raw)
    v_out = jnp.transpose(v_g)
    dist_out = jnp.transpose(dist)

    tail = _MAX_STEPS - _FIXED
    dout_ref[:, :_FIXED] = depth
    dout_ref[:, _FIXED:] = jnp.full((R, tail), _MAX_DEPTH, jnp.float32)
    vout_ref[:, :_FIXED] = v_out.astype(jnp.int32)
    vout_ref[:, _FIXED:] = jnp.full((R, tail), -1, jnp.int32)
    sout_ref[:, :_FIXED] = dist_out
    sout_ref[:, _FIXED:] = jnp.zeros((R, tail), jnp.float32)

    ro = ro_ref[...]
    rdir = rdir_ref[...]
    depth_full = jnp.concatenate(
        [depth, jnp.full((R, tail), _MAX_DEPTH, jnp.float32)], axis=1)
    px_ref[...] = ro[:, 0:1] + depth_full * rdir[:, 0:1]
    py_ref[...] = ro[:, 1:2] + depth_full * rdir[:, 1:2]
    pz_ref[...] = ro[:, 2:3] + depth_full * rdir[:, 2:3]


def kernel(rays_o, rays_d, vox_idx, t_near, t_far):
    n = rays_o.shape[0]
    grid = (n // _BLOCK_R,)
    row = lambda i: (i, 0)
    col = lambda i: (0, i)
    px, py, pz, vidx, depth, dists = pl.pallas_call(
        _body,
        grid=grid,
        in_specs=[
            pl.BlockSpec((_BLOCK_R, 3), row),
            pl.BlockSpec((_BLOCK_R, 3), row),
            pl.BlockSpec((_BLOCK_R, _MAX_HITS), row),
            pl.BlockSpec((_BLOCK_R, _MAX_HITS), row),
            pl.BlockSpec((_BLOCK_R, _MAX_HITS), row),
        ],
        out_specs=[
            pl.BlockSpec((_BLOCK_R, _MAX_STEPS), row),
            pl.BlockSpec((_BLOCK_R, _MAX_STEPS), row),
            pl.BlockSpec((_BLOCK_R, _MAX_STEPS), row),
            pl.BlockSpec((_BLOCK_R, _MAX_STEPS), row),
            pl.BlockSpec((_BLOCK_R, _MAX_STEPS), row),
            pl.BlockSpec((_BLOCK_R, _MAX_STEPS), row),
        ],
        out_shape=[
            jax.ShapeDtypeStruct((n, _MAX_STEPS), jnp.float32),
            jax.ShapeDtypeStruct((n, _MAX_STEPS), jnp.float32),
            jax.ShapeDtypeStruct((n, _MAX_STEPS), jnp.float32),
            jax.ShapeDtypeStruct((n, _MAX_STEPS), jnp.int32),
            jax.ShapeDtypeStruct((n, _MAX_STEPS), jnp.float32),
            jax.ShapeDtypeStruct((n, _MAX_STEPS), jnp.float32),
        ],
    )(rays_o, rays_d, vox_idx, t_near, t_far)
    pts = jnp.stack([px, py, pz], axis=-1)
    return (pts, vidx, depth, dists)

# --- scband reference (transcript-rebuilt; emitter-appended) ---
"""Pipeline reference for scband-nsvfpoint-sampler-2327872274948 (READ-ONLY COPY).

The authoritative reference and input builder live on the scoring server;
editing this copy changes nothing except your own understanding.
"""

import jax, jax.numpy as jnp
import numpy as np

N_RAYS = 65536
MAX_HITS = 32
FIXED_SAMPLES = 128
WITH_BASE_HITS = True
MAX_DEPTH = 10000.0

def setup_inputs(seed: int = 0):
    key = jax.random.key(seed)
    k1, k2, k3, k4, k5 = jax.random.split(key, 5)
    rays_o = jax.random.normal(k1, (N_RAYS, 3), dtype=jnp.float32)
    rays_d = jax.random.normal(k2, (N_RAYS, 3), dtype=jnp.float32)
    rays_d = rays_d / jnp.linalg.norm(rays_d, axis=-1, keepdims=True)
    seg = jax.random.uniform(k3, (N_RAYS, MAX_HITS), dtype=jnp.float32, minval=0.05, maxval=0.2)
    t0 = jax.random.uniform(k4, (N_RAYS, 1), dtype=jnp.float32, minval=0.1, maxval=1.0)
    bounds = t0 + jnp.cumsum(seg, axis=-1)
    t_near = jnp.concatenate([t0, bounds[:, :-1]], axis=-1)
    t_far = bounds
    vox_idx = jax.random.randint(k5, (N_RAYS, MAX_HITS), 0, 100000, dtype=jnp.int32)
    return {"rays_o": rays_o, "rays_d": rays_d, "vox_idx": vox_idx, "t_near": t_near, "t_far": t_far}

def _voxel_cdf_sample(vox_idx, t_near, t_far):
    # Faithful JAX translation of NSVF's inverse_cdf_sampling CUDA kernel for the
    # fixed_samples>0, det=True (eval-mode, noise=0.5) configuration.
    N_rays, max_hits = vox_idx.shape
    vox_t_range = jnp.where(vox_idx == -1, 0.0, t_far - t_near)
    t_range = jnp.sum(vox_t_range, axis=-1)
    t_probs = vox_t_range / t_range[..., None]
    steps = jnp.full((N_rays,), FIXED_SAMPLES, dtype=jnp.int32)
    max_steps = FIXED_SAMPLES + (max_hits if WITH_BASE_HITS else 0)
    noise = jnp.full((N_rays, max_steps), 0.5, dtype=jnp.float32)  # det: noise += 0.5
    j = jnp.arange(max_steps, dtype=jnp.float32)
    u = (j[None, :] + noise) / steps[:, None].astype(jnp.float32)  # stratified samples in cdf space
    cdf = jnp.cumsum(t_probs, axis=-1)
    bins = jax.vmap(lambda a, v: jnp.searchsorted(a, v, side='right'))(cdf, u)
    bins = jnp.clip(bins, 0, max_hits - 1)
    cdf_prev = jnp.concatenate([jnp.zeros((N_rays, 1), dtype=cdf.dtype), cdf[:, :-1]], axis=-1)
    prev = jnp.take_along_axis(cdf_prev, bins, axis=-1)
    p = jnp.take_along_axis(t_probs, bins, axis=-1)
    tn = jnp.take_along_axis(t_near, bins, axis=-1)
    tf = jnp.take_along_axis(t_far, bins, axis=-1)
    frac = (u - prev) / jnp.maximum(p, 1e-12)
    raw_depth = tn + frac * (tf - tn)
    vidx = jnp.take_along_axis(vox_idx, bins, axis=-1)
    valid = jnp.arange(max_steps)[None, :] < steps[:, None]
    next_d = jnp.concatenate([raw_depth[:, 1:], raw_depth[:, -1:]], axis=-1)
    prev_d = jnp.concatenate([raw_depth[:, :1], raw_depth[:, :-1]], axis=-1)
    dists = jnp.clip((next_d - prev_d) * 0.5, 0.0, None)
    vidx = jnp.where(valid, vidx, -1)
    depth = jnp.where(valid, raw_depth, MAX_DEPTH)
    dists = jnp.where(valid, dists, 0.0)
    return vidx, depth, dists

def reference(rays_o, rays_d, vox_idx, t_near, t_far):
    sampled_vidx, sampled_tvals, sampled_dists = _voxel_cdf_sample(vox_idx, t_near, t_far)
    pts = rays_o[:, None, :] + sampled_tvals[..., None] * rays_d[:, None, :]
    return (pts, sampled_vidx, sampled_tvals, sampled_dists)

if __name__ == "__main__":
    import jax
    _d = setup_inputs()
    print(jax.jit(kernel)(*tuple(_d.values())))

</pallas_src>

<mosaic_0001>
module attributes {stable_mosaic.version = 14 : i64} {
  func.func @_body(%arg0: i32, %arg1: memref<128x3xf32, #tpu.memory_space<vmem>>, %arg2: memref<128x3xf32, #tpu.memory_space<vmem>>, %arg3: memref<128x32xi32, #tpu.memory_space<vmem>>, %arg4: memref<128x32xf32, #tpu.memory_space<vmem>>, %arg5: memref<128x32xf32, #tpu.memory_space<vmem>>, %arg6: memref<128x160xf32, #tpu.memory_space<vmem>>, %arg7: memref<128x160xf32, #tpu.memory_space<vmem>>, %arg8: memref<128x160xf32, #tpu.memory_space<vmem>>, %arg9: memref<128x160xi32, #tpu.memory_space<vmem>>, %arg10: memref<128x160xf32, #tpu.memory_space<vmem>>, %arg11: memref<128x160xf32, #tpu.memory_space<vmem>>) attributes {dimension_semantics = [#tpu.dimension_semantics<arbitrary>], iteration_bounds = array<i64: 512>, scalar_prefetch = 0 : i64, scratch_operands = 0 : i64, tpu.core_type = #tpu.core_type<tc>, window_params = [{transform_indices = @transform_0, window_bounds = array<i64: 128, 3>}, {transform_indices = @transform_1, window_bounds = array<i64: 128, 3>}, {transform_indices = @transform_2, window_bounds = array<i64: 128, 32>}, {transform_indices = @transform_3, window_bounds = array<i64: 128, 32>}, {transform_indices = @transform_4, window_bounds = array<i64: 128, 32>}, {transform_indices = @transform_5, window_bounds = array<i64: 128, 160>}, {transform_indices = @transform_6, window_bounds = array<i64: 128, 160>}, {transform_indices = @transform_7, window_bounds = array<i64: 128, 160>}, {transform_indices = @transform_8, window_bounds = array<i64: 128, 160>}, {transform_indices = @transform_9, window_bounds = array<i64: 128, 160>}, {transform_indices = @transform_10, window_bounds = array<i64: 128, 160>}]} {
    %get3A = arith.constant 0 : index
    %get3A_0 = arith.constant 0 : index
    %get3A_1 = vector.load %arg4[%get3A, %get3A_0] : memref<128x32xf32, #tpu.memory_space<vmem>>, vector<128x32xf32>
    %transpose3A = tpu.transpose %get3A_1, [1, 0] : vector<128x32xf32> -> vector<32x128xf32>
    %get3A_2 = arith.constant 0 : index
    %get3A_3 = arith.constant 0 : index
    %get3A_4 = vector.load %arg5[%get3A_2, %get3A_3] : memref<128x32xf32, #tpu.memory_space<vmem>>, vector<128x32xf32>
    %transpose3A_5 = tpu.transpose %get3A_4, [1, 0] : vector<128x32xf32> -> vector<32x128xf32>
    %get3A_6 = arith.constant 0 : index
    %get3A_7 = arith.constant 0 : index
    %get3A_8 = vector.load %arg3[%get3A_6, %get3A_7] : memref<128x32xi32, #tpu.memory_space<vmem>>, vector<128x32xi32>
    %transpose3A_9 = tpu.transpose %get3A_8, [1, 0] : vector<128x32xi32> -> vector<32x128xi32>
    %convert_element_type3A = arith.sitofp %transpose3A_9 : vector<32x128xi32> to vector<32x128xf32>
    %eq3A = arith.constant -1 : i32
    %eq3A_10 = vector.broadcast %eq3A : i32 to vector<32x128xi32>
    %eq3A_11 = arith.cmpi eq, %transpose3A_9, %eq3A_10 : vector<32x128xi32>
    %sub3A = arith.subf %transpose3A_5, %transpose3A : vector<32x128xf32>
    %jit3A = arith.constant 0.000000e+00 : f32
    %broadcast_in_dim3A = vector.broadcast %jit3A : f32 to vector<32x128xf32>
    %select_n3A = arith.select %eq3A_11, %broadcast_in_dim3A, %sub3A : vector<32x128xi1>, vector<32x128xf32>
    %reduce_sum3A = arith.constant dense<0.000000e+00> : vector<128xf32>
    %reduce_sum3A_12 = vector.multi_reduction <add>, %select_n3A, %reduce_sum3A [0] : vector<32x128xf32> to vector<128xf32>
    %broadcast_in_dim3A_13 = vector.shape_cast %reduce_sum3A_12 : vector<128xf32> to vector<1x128xf32>
    %div3A = vector.broadcast %broadcast_in_dim3A_13 : vector<1x128xf32> to vector<32x128xf32>
    %div3A_14 = arith.divf %select_n3A, %div3A : vector<32x128xf32>
    %broadcast_in_dim3A_15 = arith.constant 0.000000e+00 : f32
    %broadcast_in_dim3A_16 = vector.broadcast %broadcast_in_dim3A_15 : f32 to vector<1x128xf32>
    %slice3A = vector.extract_strided_slice %div3A_14 {offsets = [0, 0], sizes = [31, 128], strides = [1, 1]} : vector<32x128xf32> to vector<31x128xf32>
    %concatenate3A = tpu.concatenate %broadcast_in_dim3A_16, %slice3A in 0 : vector<1x128xf32>, vector<31x128xf32> -> vector<32x128xf32>
    %add3A = arith.addf %div3A_14, %concatenate3A : vector<32x128xf32>
    %broadcast_in_dim3A_17 = arith.constant 0.000000e+00 : f32
    %broadcast_in_dim3A_18 = vector.broadcast %broadcast_in_dim3A_17 : f32 to vector<2x128xf32>
    %slice3A_19 = vector.extract_strided_slice %add3A {offsets = [0, 0], sizes = [30, 128], strides = [1, 1]} : vector<32x128xf32> to vector<30x128xf32>
    %concatenate3A_20 = tpu.concatenate %broadcast_in_dim3A_18, %slice3A_19 in 0 : vector<2x128xf32>, vector<30x128xf32> -> vector<32x128xf32>
    %add3A_21 = arith.addf %add3A, %concatenate3A_20 : vector<32x128xf32>
    %broadcast_in_dim3A_22 = arith.constant 0.000000e+00 : f32
    %broadcast_in_dim3A_23 = vector.broadcast %broadcast_in_dim3A_22 : f32 to vector<4x128xf32>
    %slice3A_24 = vector.extract_strided_slice %add3A_21 {offsets = [0, 0], sizes = [28, 128], strides = [1, 1]} : vector<32x128xf32> to vector<28x128xf32>
    %concatenate3A_25 = tpu.concatenate %broadcast_in_dim3A_23, %slice3A_24 in 0 : vector<4x128xf32>, vector<28x128xf32> -> vector<32x128xf32>
    %add3A_26 = arith.addf %add3A_21, %concatenate3A_25 : vector<32x128xf32>
    %broadcast_in_dim3A_27 = arith.constant 0.000000e+00 : f32
    %broadcast_in_dim3A_28 = vector.broadcast %broadcast_in_dim3A_27 : f32 to vector<8x128xf32>
    %slice3A_29 = vector.extract_strided_slice %add3A_26 {offsets = [0, 0], sizes = [24, 128], strides = [1, 1]} : vector<32x128xf32> to vector<24x128xf32>
    %concatenate3A_30 = tpu.concatenate %broadcast_in_dim3A_28, %slice3A_29 in 0 : vector<8x128xf32>, vector<24x128xf32> -> vector<32x128xf32>
    %add3A_31 = arith.addf %add3A_26, %concatenate3A_30 : vector<32x128xf32>
    %broadcast_in_dim3A_32 = arith.constant 0.000000e+00 : f32
    %broadcast_in_dim3A_33 = vector.broadcast %broadcast_in_dim3A_32 : f32 to vector<16x128xf32>
    %slice3A_34 = vector.extract_strided_slice %add3A_31 {offsets = [0, 0], sizes = [16, 128], strides = [1, 1]} : vector<32x128xf32> to vector<16x128xf32>
    %concatenate3A_35 = tpu.concatenate %broadcast_in_dim3A_33, %slice3A_34 in 0 : vector<16x128xf32>, vector<16x128xf32> -> vector<32x128xf32>
    %add3A_36 = arith.addf %add3A_31, %concatenate3A_35 : vector<32x128xf32>
    %max3A = arith.constant 9.99999996E-13 : f32
    %max3A_37 = vector.broadcast %max3A : f32 to vector<32x128xf32>
    %max3A_38 = arith.maximumf %div3A_14, %max3A_37 : vector<32x128xf32>
    %sub3A_39 = arith.subf %transpose3A_5, %transpose3A : vector<32x128xf32>
    %div3A_40 = arith.divf %sub3A_39, %max3A_38 : vector<32x128xf32>
    %broadcast_in_dim3A_41 = arith.constant 0.000000e+00 : f32
    %broadcast_in_dim3A_42 = vector.broadcast %broadcast_in_dim3A_41 : f32 to vector<1x128xf32>
    %slice3A_43 = vector.extract_strided_slice %add3A_36 {offsets = [0, 0], sizes = [31, 128], strides = [1, 1]} : vector<32x128xf32> to vector<31x128xf32>
    %concatenate3A_44 = tpu.concatenate %broadcast_in_dim3A_42, %slice3A_43 in 0 : vector<1x128xf32>, vector<31x128xf32> -> vector<32x128xf32>
    %mul3A = arith.mulf %concatenate3A_44, %div3A_40 : vector<32x128xf32>
    %sub3A_45 = arith.subf %transpose3A, %mul3A : vector<32x128xf32>
    %iota3A = tpu.iota {dimensions = array<i32: 0>} : vector<128x128xi32>
    %convert_element_type3A_46 = arith.sitofp %iota3A : vector<128x128xi32> to vector<128x128xf32>
    %add3A_47 = arith.constant 5.000000e-01 : f32
    %add3A_48 = vector.broadcast %add3A_47 : f32 to vector<128x128xf32>
    %add3A_49 = arith.addf %convert_element_type3A_46, %add3A_48 : vector<128x128xf32>
    %mul3A_50 = arith.constant 7.812500e-03 : f32
    %mul3A_51 = vector.broadcast %mul3A_50 : f32 to vector<128x128xf32>
    %mul3A_52 = arith.mulf %add3A_49, %mul3A_51 : vector<128x128xf32>
    %slice3A_53 = vector.extract_strided_slice %sub3A_45 {offsets = [0, 0], sizes = [1, 128], strides = [1, 1]} : vector<32x128xf32> to vector<1x128xf32>
    %broadcast_in_dim3A_54 = vector.shape_cast %slice3A_53 : vector<1x128xf32> to vector<1x128xf32>
    %broadcast_in_dim3A_55 = vector.broadcast %broadcast_in_dim3A_54 : vector<1x128xf32> to vector<128x128xf32>
    %slice3A_56 = vector.extract_strided_slice %div3A_40 {offsets = [0, 0], sizes = [1, 128], strides = [1, 1]} : vector<32x128xf32> to vector<1x128xf32>
    %broadcast_in_dim3A_57 = vector.shape_cast %slice3A_56 : vector<1x128xf32> to vector<1x128xf32>
    %broadcast_in_dim3A_58 = vector.broadcast %broadcast_in_dim3A_57 : vector<1x128xf32> to vector<128x128xf32>
    %slice3A_59 = vector.extract_strided_slice %convert_element_type3A {offsets = [0, 0], sizes = [1, 128], strides = [1, 1]} : vector<32x128xf32> to vector<1x128xf32>
    %broadcast_in_dim3A_60 = vector.shape_cast %slice3A_59 : vector<1x128xf32> to vector<1x128xf32>
    %broadcast_in_dim3A_61 = vector.broadcast %broadcast_in_dim3A_60 : vector<1x128xf32> to vector<128x128xf32>
    %slice3A_62 = vector.extract_strided_slice %add3A_36 {offsets = [0, 0], sizes = [1, 128], strides = [1, 1]} : vector<32x128xf32> to vector<1x128xf32>
    %ge3A = vector.broadcast %slice3A_62 : vector<1x128xf32> to vector<128x128xf32>
    %ge3A_63 = arith.cmpf oge, %mul3A_52, %ge3A : vector<128x128xf32>
    %slice3A_64 = vector.extract_strided_slice %sub3A_45 {offsets = [1, 0], sizes = [1, 128], strides = [1, 1]} : vector<32x128xf32> to vector<1x128xf32>
    %broadcast_in_dim3A_65 = vector.shape_cast %slice3A_64 : vector<1x128xf32> to vector<1x128xf32>
    %broadcast_in_dim3A_66 = vector.broadcast %broadcast_in_dim3A_65 : vector<1x128xf32> to vector<128x128xf32>
    %select_n3A_67 = arith.select %ge3A_63, %broadcast_in_dim3A_66, %broadcast_in_dim3A_55 : vector<128x128xi1>, vector<128x128xf32>
    %slice3A_68 = vector.extract_strided_slice %div3A_40 {offsets = [1, 0], sizes = [1, 128], strides = [1, 1]} : vector<32x128xf32> to vector<1x128xf32>
    %broadcast_in_dim3A_69 = vector.shape_cast %slice3A_68 : vector<1x128xf32> to vector<1x128xf32>
    %broadcast_in_dim3A_70 = vector.broadcast %broadcast_in_dim3A_69 : vector<1x128xf32> to vector<128x128xf32>
    %select_n3A_71 = arith.select %ge3A_63, %broadcast_in_dim3A_70, %broadcast_in_dim3A_58 : vector<128x128xi1>, vector<128x128xf32>
    %slice3A_72 = vector.extract_strided_slice %convert_element_type3A {offsets = [1, 0], sizes = [1, 128], strides = [1, 1]} : vector<32x128xf32> to vector<1x128xf32>
    %broadcast_in_dim3A_73 = vector.shape_cast %slice3A_72 : vector<1x128xf32> to vector<1x128xf32>
    %broadcast_in_dim3A_74 = vector.broadcast %broadcast_in_dim3A_73 : vector<1x128xf32> to vector<128x128xf32>
    %select_n3A_75 = arith.select %ge3A_63, %broadcast_in_dim3A_74, %broadcast_in_dim3A_61 : vector<128x128xi1>, vector<128x128xf32>
    %slice3A_76 = vector.extract_strided_slice %add3A_36 {offsets = [1, 0], sizes = [1, 128], strides = [1, 1]} : vector<32x128xf32> to vector<1x128xf32>
    %ge3A_77 = vector.broadcast %slice3A_76 : vector<1x128xf32> to vector<128x128xf32>
    %ge3A_78 = arith.cmpf oge, %mul3A_52, %ge3A_77 : vector<128x128xf32>
    %slice3A_79 = vector.extract_strided_slice %sub3A_45 {offsets = [2, 0], sizes = [1, 128], strides = [1, 1]} : vector<32x128xf32> to vector<1x128xf32>
    %broadcast_in_dim3A_80 = vector.shape_cast %slice3A_79 : vector<1x128xf32> to vector<1x128xf32>
    %broadcast_in_dim3A_81 = vector.broadcast %broadcast_in_dim3A_80 : vector<1x128xf32> to vector<128x128xf32>
    %select_n3A_82 = arith.select %ge3A_78, %broadcast_in_dim3A_81, %select_n3A_67 : vector<128x128xi1>, vector<128x128xf32>
    %slice3A_83 = vector.extract_strided_slice %div3A_40 {offsets = [2, 0], sizes = [1, 128], strides = [1, 1]} : vector<32x128xf32> to vector<1x128xf32>
    %broadcast_in_dim3A_84 = vector.shape_cast %slice3A_83 : vector<1x128xf32> to vector<1x128xf32>
    %broadcast_in_dim3A_85 = vector.broadcast %broadcast_in_dim3A_84 : vector<1x128xf32> to vector<128x128xf32>
    %select_n3A_86 = arith.select %ge3A_78, %broadcast_in_dim3A_85, %select_n3A_71 : vector<128x128xi1>, vector<128x128xf32>
    %slice3A_87 = vector.extract_strided_slice %convert_element_type3A {offsets = [2, 0], sizes = [1, 128], strides = [1, 1]} : vector<32x128xf32> to vector<1x128xf32>
    %broadcast_in_dim3A_88 = vector.shape_cast %slice3A_87 : vector<1x128xf32> to vector<1x128xf32>
    %broadcast_in_dim3A_89 = vector.broadcast %broadcast_in_dim3A_88 : vector<1x128xf32> to vector<128x128xf32>
    %select_n3A_90 = arith.select %ge3A_78, %broadcast_in_dim3A_89, %select_n3A_75 : vector<128x128xi1>, vector<128x128xf32>
    %slice3A_91 = vector.extract_strided_slice %add3A_36 {offsets = [2, 0], sizes = [1, 128], strides = [1, 1]} : vector<32x128xf32> to vector<1x128xf32>
    %ge3A_92 = vector.broadcast %slice3A_91 : vector<1x128xf32> to vector<128x128xf32>
    %ge3A_93 = arith.cmpf oge, %mul3A_52, %ge3A_92 : vector<128x128xf32>
    %slice3A_94 = vector.extract_strided_slice %sub3A_45 {offsets = [3, 0], sizes = [1, 128], strides = [1, 1]} : vector<32x128xf32> to vector<1x128xf32>
    %broadcast_in_dim3A_95 = vector.shape_cast %slice3A_94 : vector<1x128xf32> to vector<1x128xf32>
    %broadcast_in_dim3A_96 = vector.broadcast %broadcast_in_dim3A_95 : vector<1x128xf32> to vector<128x128xf32>
    %select_n3A_97 = arith.select %ge3A_93, %broadcast_in_dim3A_96, %select_n3A_82 : vector<128x128xi1>, vector<128x128xf32>
    %slice3A_98 = vector.extract_strided_slice %div3A_40 {offsets = [3, 0], sizes = [1, 128], strides = [1, 1]} : vector<32x128xf32> to vector<1x128xf32>
    %broadcast_in_dim3A_99 = vector.shape_cast %slice3A_98 : vector<1x128xf32> to vector<1x128xf32>
    %broadcast_in_dim3A_100 = vector.broadcast %broadcast_in_dim3A_99 : vector<1x128xf32> to vector<128x128xf32>
    %select_n3A_101 = arith.select %ge3A_93, %broadcast_in_dim3A_100, %select_n3A_86 : vector<128x128xi1>, vector<128x128xf32>
    %slice3A_102 = vector.extract_strided_slice %convert_element_type3A {offsets = [3, 0], sizes = [1, 128], strides = [1, 1]} : vector<32x128xf32> to vector<1x128xf32>
    %broadcast_in_dim3A_103 = vector.shape_cast %slice3A_102 : vector<1x128xf32> to vector<1x128xf32>
    %broadcast_in_dim3A_104 = vector.broadcast %broadcast_in_dim3A_103 : vector<1x128xf32> to vector<128x128xf32>
    %select_n3A_105 = arith.select %ge3A_93, %broadcast_in_dim3A_104, %select_n3A_90 : vector<128x128xi1>, vector<128x128xf32>
    %slice3A_106 = vector.extract_strided_slice %add3A_36 {offsets = [3, 0], sizes = [1, 128], strides = [1, 1]} : vector<32x128xf32> to vector<1x128xf32>
    %ge3A_107 = vector.broadcast %slice3A_106 : vector<1x128xf32> to vector<128x128xf32>
    %ge3A_108 = arith.cmpf oge, %mul3A_52, %ge3A_107 : vector<128x128xf32>
    %slice3A_109 = vector.extract_strided_slice %sub3A_45 {offsets = [4, 0], sizes = [1, 128], strides = [1, 1]} : vector<32x128xf32> to vector<1x128xf32>
    %broadcast_in_dim3A_110 = vector.shape_cast %slice3A_109 : vector<1x128xf32> to vector<1x128xf32>
    %broadcast_in_dim3A_111 = vector.broadcast %broadcast_in_dim3A_110 : vector<1x128xf32> to vector<128x128xf32>
    %select_n3A_112 = arith.select %ge3A_108, %broadcast_in_dim3A_111, %select_n3A_97 : vector<128x128xi1>, vector<128x128xf32>
    %slice3A_113 = vector.extract_strided_slice %div3A_40 {offsets = [4, 0], sizes = [1, 128], strides = [1, 1]} : vector<32x128xf32> to vector<1x128xf32>
    %broadcast_in_dim3A_114 = vector.shape_cast %slice3A_113 : vector<1x128xf32> to vector<1x128xf32>
    %broadcast_in_dim3A_115 = vector.broadcast %broadcast_in_dim3A_114 : vector<1x128xf32> to vector<128x128xf32>
    %select_n3A_116 = arith.select %ge3A_108, %broadcast_in_dim3A_115, %select_n3A_101 : vector<128x128xi1>, vector<128x128xf32>
    %slice3A_117 = vector.extract_strided_slice %convert_element_type3A {offsets = [4, 0], sizes = [1, 128], strides = [1, 1]} : vector<32x128xf32> to vector<1x128xf32>
    %broadcast_in_dim3A_118 = vector.shape_cast %slice3A_117 : vector<1x128xf32> to vector<1x128xf32>
    %broadcast_in_dim3A_119 = vector.broadcast %broadcast_in_dim3A_118 : vector<1x128xf32> to vector<128x128xf32>
    %select_n3A_120 = arith.select %ge3A_108, %broadcast_in_dim3A_119, %select_n3A_105 : vector<128x128xi1>, vector<128x128xf32>
    %slice3A_121 = vector.extract_strided_slice %add3A_36 {offsets = [4, 0], sizes = [1, 128], strides = [1, 1]} : vector<32x128xf32> to vector<1x128xf32>
    %ge3A_122 = vector.broadcast %slice3A_121 : vector<1x128xf32> to vector<128x128xf32>
    %ge3A_123 = arith.cmpf oge, %mul3A_52, %ge3A_122 : vector<128x128xf32>
    %slice3A_124 = vector.extract_strided_slice %sub3A_45 {offsets = [5, 0], sizes = [1, 128], strides = [1, 1]} : vector<32x128xf32> to vector<1x128xf32>
    %broadcast_in_dim3A_125 = vector.shape_cast %slice3A_124 : vector<1x128xf32> to vector<1x128xf32>
    %broadcast_in_dim3A_126 = vector.broadcast %broadcast_in_dim3A_125 : vector<1x128xf32> to vector<128x128xf32>
    %select_n3A_127 = arith.select %ge3A_123, %broadcast_in_dim3A_126, %select_n3A_112 : vector<128x128xi1>, vector<128x128xf32>
    %slice3A_128 = vector.extract_strided_slice %div3A_40 {offsets = [5, 0], sizes = [1, 128], strides = [1, 1]} : vector<32x128xf32> to vector<1x128xf32>
    %broadcast_in_dim3A_129 = vector.shape_cast %slice3A_128 : vector<1x128xf32> to vector<1x128xf32>
    %broadcast_in_dim3A_130 = vector.broadcast %broadcast_in_dim3A_129 : vector<1x128xf32> to vector<128x128xf32>
    %select_n3A_131 = arith.select %ge3A_123, %broadcast_in_dim3A_130, %select_n3A_116 : vector<128x128xi1>, vector<128x128xf32>
    %slice3A_132 = vector.extract_strided_slice %convert_element_type3A {offsets = [5, 0], sizes = [1, 128], strides = [1, 1]} : vector<32x128xf32> to vector<1x128xf32>
    %broadcast_in_dim3A_133 = vector.shape_cast %slice3A_132 : vector<1x128xf32> to vector<1x128xf32>
    %broadcast_in_dim3A_134 = vector.broadcast %broadcast_in_dim3A_133 : vector<1x128xf32> to vector<128x128xf32>
    %select_n3A_135 = arith.select %ge3A_123, %broadcast_in_dim3A_134, %select_n3A_120 : vector<128x128xi1>, vector<128x128xf32>
    %slice3A_136 = vector.extract_strided_slice %add3A_36 {offsets = [5, 0], sizes = [1, 128], strides = [1, 1]} : vector<32x128xf32> to vector<1x128xf32>
    %ge3A_137 = vector.broadcast %slice3A_136 : vector<1x128xf32> to vector<128x128xf32>
    %ge3A_138 = arith.cmpf oge, %mul3A_52, %ge3A_137 : vector<128x128xf32>
    %slice3A_139 = vector.extract_strided_slice %sub3A_45 {offsets = [6, 0], sizes = [1, 128], strides = [1, 1]} : vector<32x128xf32> to vector<1x128xf32>
    %broadcast_in_dim3A_140 = vector.shape_cast %slice3A_139 : vector<1x128xf32> to vector<1x128xf32>
    %broadcast_in_dim3A_141 = vector.broadcast %broadcast_in_dim3A_140 : vector<1x128xf32> to vector<128x128xf32>
    %select_n3A_142 = arith.select %ge3A_138, %broadcast_in_dim3A_141, %select_n3A_127 : vector<128x128xi1>, vector<128x128xf32>
    %slice3A_143 = vector.extract_strided_slice %div3A_40 {offsets = [6, 0], sizes = [1, 128], strides = [1, 1]} : vector<32x128xf32> to vector<1x128xf32>
    %broadcast_in_dim3A_144 = vector.shape_cast %slice3A_143 : vector<1x128xf32> to vector<1x128xf32>
    %broadcast_in_dim3A_145 = vector.broadcast %broadcast_in_dim3A_144 : vector<1x128xf32> to vector<128x128xf32>
    %select_n3A_146 = arith.select %ge3A_138, %broadcast_in_dim3A_145, %select_n3A_131 : vector<128x128xi1>, vector<128x128xf32>
    %slice3A_147 = vector.extract_strided_slice %convert_element_type3A {offsets = [6, 0], sizes = [1, 128], strides = [1, 1]} : vector<32x128xf32> to vector<1x128xf32>
    %broadcast_in_dim3A_148 = vector.shape_cast %slice3A_147 : vector<1x128xf32> to vector<1x128xf32>
    %broadcast_in_dim3A_149 = vector.broadcast %broadcast_in_dim3A_148 : vector<1x128xf32> to vector<128x128xf32>
    %select_n3A_150 = arith.select %ge3A_138, %broadcast_in_dim3A_149, %select_n3A_135 : vector<128x128xi1>, vector<128x128xf32>
    %slice3A_151 = vector.extract_strided_slice %add3A_36 {offsets = [6, 0], sizes = [1, 128], strides = [1, 1]} : vector<32x128xf32> to vector<1x128xf32>
    %ge3A_152 = vector.broadcast %slice3A_151 : vector<1x128xf32> to vector<128x128xf32>
    %ge3A_153 = arith.cmpf oge, %mul3A_52, %ge3A_152 : vector<128x128xf32>
    %slice3A_154 = vector.extract_strided_slice %sub3A_45 {offsets = [7, 0], sizes = [1, 128], strides = [1, 1]} : vector<32x128xf32> to vector<1x128xf32>
    %broadcast_in_dim3A_155 = vector.shape_cast %slice3A_154 : vector<1x128xf32> to vector<1x128xf32>
    %broadcast_in_dim3A_156 = vector.broadcast %broadcast_in_dim3A_155 : vector<1x128xf32> to vector<128x128xf32>
    %select_n3A_157 = arith.select %ge3A_153, %broadcast_in_dim3A_156, %select_n3A_142 : vector<128x128xi1>, vector<128x128xf32>
    %slice3A_158 = vector.extract_strided_slice %div3A_40 {offsets = [7, 0], sizes = [1, 128], strides = [1, 1]} : vector<32x128xf32> to vector<1x128xf32>
    %broadcast_in_dim3A_159 = vector.shape_cast %slice3A_158 : vector<1x128xf32> to vector<1x128xf32>
    %broadcast_in_dim3A_160 = vector.broadcast %broadcast_in_dim3A_159 : vector<1x128xf32> to vector<128x128xf32>
    %select_n3A_161 = arith.select %ge3A_153, %broadcast_in_dim3A_160, %select_n3A_146 : vector<128x128xi1>, vector<128x128xf32>
    %slice3A_162 = vector.extract_strided_slice %convert_element_type3A {offsets = [7, 0], sizes = [1, 128], strides = [1, 1]} : vector<32x128xf32> to vector<1x128xf32>
    %broadcast_in_dim3A_163 = vector.shape_cast %slice3A_162 : vector<1x128xf32> to vector<1x128xf32>
    %broadcast_in_dim3A_164 = vector.broadcast %broadcast_in_dim3A_163 : vector<1x128xf32> to vector<128x128xf32>
    %select_n3A_165 = arith.select %ge3A_153, %broadcast_in_dim3A_164, %select_n3A_150 : vector<128x128xi1>, vector<128x128xf32>
    %slice3A_166 = vector.extract_strided_slice %add3A_36 {offsets = [7, 0], sizes = [1, 128], strides = [1, 1]} : vector<32x128xf32> to vector<1x128xf32>
    %ge3A_167 = vector.broadcast %slice3A_166 : vector<1x128xf32> to vector<128x128xf32>
    %ge3A_168 = arith.cmpf oge, %mul3A_52, %ge3A_167 : vector<128x128xf32>
    %slice3A_169 = vector.extract_strided_slice %sub3A_45 {offsets = [8, 0], sizes = [1, 128], strides = [1, 1]} : vector<32x128xf32> to vector<1x128xf32>
    %broadcast_in_dim3A_170 = vector.shape_cast %slice3A_169 : vector<1x128xf32> to vector<1x128xf32>
    %broadcast_in_dim3A_171 = vector.broadcast %broadcast_in_dim3A_170 : vector<1x128xf32> to vector<128x128xf32>
    %select_n3A_172 = arith.select %ge3A_168, %broadcast_in_dim3A_171, %select_n3A_157 : vector<128x128xi1>, vector<128x128xf32>
    %slice3A_173 = vector.extract_strided_slice %div3A_40 {offsets = [8, 0], sizes = [1, 128], strides = [1, 1]} : vector<32x128xf32> to vector<1x128xf32>
    %broadcast_in_dim3A_174 = vector.shape_cast %slice3A_173 : vector<1x128xf32> to vector<1x128xf32>
    %broadcast_in_dim3A_175 = vector.broadcast %broadcast_in_dim3A_174 : vector<1x128xf32> to vector<128x128xf32>
    %select_n3A_176 = arith.select %ge3A_168, %broadcast_in_dim3A_175, %select_n3A_161 : vector<128x128xi1>, vector<128x128xf32>
    %slice3A_177 = vector.extract_strided_slice %convert_element_type3A {offsets = [8, 0], sizes = [1, 128], strides = [1, 1]} : vector<32x128xf32> to vector<1x128xf32>
    %broadcast_in_dim3A_178 = vector.shape_cast %slice3A_177 : vector<1x128xf32> to vector<1x128xf32>
    %broadcast_in_dim3A_179 = vector.broadcast %broadcast_in_dim3A_178 : vector<1x128xf32> to vector<128x128xf32>
    %select_n3A_180 = arith.select %ge3A_168, %broadcast_in_dim3A_179, %select_n3A_165 : vector<128x128xi1>, vector<128x128xf32>
    %slice3A_181 = vector.extract_strided_slice %add3A_36 {offsets = [8, 0], sizes = [1, 128], strides = [1, 1]} : vector<32x128xf32> to vector<1x128xf32>
    %ge3A_182 = vector.broadcast %slice3A_181 : vector<1x128xf32> to vector<128x128xf32>
    %ge3A_183 = arith.cmpf oge, %mul3A_52, %ge3A_182 : vector<128x128xf32>
    %slice3A_184 = vector.extract_strided_slice %sub3A_45 {offsets = [9, 0], sizes = [1, 128], strides = [1, 1]} : vector<32x128xf32> to vector<1x128xf32>
    %broadcast_in_dim3A_185 = vector.shape_cast %slice3A_184 : vector<1x128xf32> to vector<1x128xf32>
    %broadcast_in_dim3A_186 = vector.broadcast %broadcast_in_dim3A_185 : vector<1x128xf32> to vector<128x128xf32>
    %select_n3A_187 = arith.select %ge3A_183, %broadcast_in_dim3A_186, %select_n3A_172 : vector<128x128xi1>, vector<128x128xf32>
    %slice3A_188 = vector.extract_strided_slice %div3A_40 {offsets = [9, 0], sizes = [1, 128], strides = [1, 1]} : vector<32x128xf32> to vector<1x128xf32>
    %broadcast_in_dim3A_189 = vector.shape_cast %slice3A_188 : vector<1x128xf32> to vector<1x128xf32>
    %broadcast_in_dim3A_190 = vector.broadcast %broadcast_in_dim3A_189 : vector<1x128xf32> to vector<128x128xf32>
    %select_n3A_191 = arith.select %ge3A_183, %broadcast_in_dim3A_190, %select_n3A_176 : vector<128x128xi1>, vector<128x128xf32>
    %slice3A_192 = vector.extract_strided_slice %convert_element_type3A {offsets = [9, 0], sizes = [1, 128], strides = [1, 1]} : vector<32x128xf32> to vector<1x128xf32>
    %broadcast_in_dim3A_193 = vector.shape_cast %slice3A_192 : vector<1x128xf32> to vector<1x128xf32>
    %broadcast_in_dim3A_194 = vector.broadcast %broadcast_in_dim3A_193 : vector<1x128xf32> to vector<128x128xf32>
    %select_n3A_195 = arith.select %ge3A_183, %broadcast_in_dim3A_194, %select_n3A_180 : vector<128x128xi1>, vector<128x128xf32>
    %slice3A_196 = vector.extract_strided_slice %add3A_36 {offsets = [9, 0], sizes = [1, 128], strides = [1, 1]} : vector<32x128xf32> to vector<1x128xf32>
    %ge3A_197 = vector.broadcast %slice3A_196 : vector<1x128xf32> to vector<128x128xf32>
    %ge3A_198 = arith.cmpf oge, %mul3A_52, %ge3A_197 : vector<128x128xf32>
    %slice3A_199 = vector.extract_strided_slice %sub3A_45 {offsets = [10, 0], sizes = [1, 128], strides = [1, 1]} : vector<32x128xf32> to vector<1x128xf32>
    %broadcast_in_dim3A_200 = vector.shape_cast %slice3A_199 : vector<1x128xf32> to vector<1x128xf32>
    %broadcast_in_dim3A_201 = vector.broadcast %broadcast_in_dim3A_200 : vector<1x128xf32> to vector<128x128xf32>
    %select_n3A_202 = arith.select %ge3A_198, %broadcast_in_dim3A_201, %select_n3A_187 : vector<128x128xi1>, vector<128x128xf32>
    %slice3A_203 = vector.extract_strided_slice %div3A_40 {offsets = [10, 0], sizes = [1, 128], strides = [1, 1]} : vector<32x128xf32> to vector<1x128xf32>
    %broadcast_in_dim3A_204 = vector.shape_cast %slice3A_203 : vector<1x128xf32> to vector<1x128xf32>
    %broadcast_in_dim3A_205 = vector.broadcast %broadcast_in_dim3A_204 : vector<1x128xf32> to vector<128x128xf32>
    %select_n3A_206 = arith.select %ge3A_198, %broadcast_in_dim3A_205, %select_n3A_191 : vector<128x128xi1>, vector<128x128xf32>
    %slice3A_207 = vector.extract_strided_slice %convert_element_type3A {offsets = [10, 0], sizes = [1, 128], strides = [1, 1]} : vector<32x128xf32> to vector<1x128xf32>
    %broadcast_in_dim3A_208 = vector.shape_cast %slice3A_207 : vector<1x128xf32> to vector<1x128xf32>
    %broadcast_in_dim3A_209 = vector.broadcast %broadcast_in_dim3A_208 : vector<1x128xf32> to vector<128x128xf32>
    %select_n3A_210 = arith.select %ge3A_198, %broadcast_in_dim3A_209, %select_n3A_195 : vector<128x128xi1>, vector<128x128xf32>
    %slice3A_211 = vector.extract_strided_slice %add3A_36 {offsets = [10, 0], sizes = [1, 128], strides = [1, 1]} : vector<32x128xf32> to vector<1x128xf32>
    %ge3A_212 = vector.broadcast %slice3A_211 : vector<1x128xf32> to vector<128x128xf32>
    %ge3A_213 = arith.cmpf oge, %mul3A_52, %ge3A_212 : vector<128x128xf32>
    %slice3A_214 = vector.extract_strided_slice %sub3A_45 {offsets = [11, 0], sizes = [1, 128], strides = [1, 1]} : vector<32x128xf32> to vector<1x128xf32>
    %broadcast_in_dim3A_215 = vector.shape_cast %slice3A_214 : vector<1x128xf32> to vector<1x128xf32>
    %broadcast_in_dim3A_216 = vector.broadcast %broadcast_in_dim3A_215 : vector<1x128xf32> to vector<128x128xf32>
    %select_n3A_217 = arith.select %ge3A_213, %broadcast_in_dim3A_216, %select_n3A_202 : vector<128x128xi1>, vector<128x128xf32>
    %slice3A_218 = vector.extract_strided_slice %div3A_40 {offsets = [11, 0], sizes = [1, 128], strides = [1, 1]} : vector<32x128xf32> to vector<1x128xf32>
    %broadcast_in_dim3A_219 = vector.shape_cast %slice3A_218 : vector<1x128xf32> to vector<1x128xf32>
    %broadcast_in_dim3A_220 = vector.broadcast %broadcast_in_dim3A_219 : vector<1x128xf32> to vector<128x128xf32>
    %select_n3A_221 = arith.select %ge3A_213, %broadcast_in_dim3A_220, %select_n3A_206 : vector<128x128xi1>, vector<128x128xf32>
    %slice3A_222 = vector.extract_strided_slice %convert_element_type3A {offsets = [11, 0], sizes = [1, 128], strides = [1, 1]} : vector<32x128xf32> to vector<1x128xf32>
    %broadcast_in_dim3A_223 = vector.shape_cast %slice3A_222 : vector<1x128xf32> to vector<1x128xf32>
    %broadcast_in_dim3A_224 = vector.broadcast %broadcast_in_dim3A_223 : vector<1x128xf32> to vector<128x128xf32>
    %select_n3A_225 = arith.select %ge3A_213, %broadcast_in_dim3A_224, %select_n3A_210 : vector<128x128xi1>, vector<128x128xf32>
    %slice3A_226 = vector.extract_strided_slice %add3A_36 {offsets = [11, 0], sizes = [1, 128], strides = [1, 1]} : vector<32x128xf32> to vector<1x128xf32>
    %ge3A_227 = vector.broadcast %slice3A_226 : vector<1x128xf32> to vector<128x128xf32>
    %ge3A_228 = arith.cmpf oge, %mul3A_52, %ge3A_227 : vector<128x128xf32>
    %slice3A_229 = vector.extract_strided_slice %sub3A_45 {offsets = [12, 0], sizes = [1, 128], strides = [1, 1]} : vector<32x128xf32> to vector<1x128xf32>
    %broadcast_in_dim3A_230 = vector.shape_cast %slice3A_229 : vector<1x128xf32> to vector<1x128xf32>
    %broadcast_in_dim3A_231 = vector.broadcast %broadcast_in_dim3A_230 : vector<1x128xf32> to vector<128x128xf32>
    %select_n3A_232 = arith.select %ge3A_228, %broadcast_in_dim3A_231, %select_n3A_217 : vector<128x128xi1>, vector<128x128xf32>
    %slice3A_233 = vector.extract_strided_slice %div3A_40 {offsets = [12, 0], sizes = [1, 128], strides = [1, 1]} : vector<32x128xf32> to vector<1x128xf32>
    %broadcast_in_dim3A_234 = vector.shape_cast %slice3A_233 : vector<1x128xf32> to vector<1x128xf32>
    %broadcast_in_dim3A_235 = vector.broadcast %broadcast_in_dim3A_234 : vector<1x128xf32> to vector<128x128xf32>
    %select_n3A_236 = arith.select %ge3A_228, %broadcast_in_dim3A_235, %select_n3A_221 : vector<128x128xi1>, vector<128x128xf32>
    %slice3A_237 = vector.extract_strided_slice %convert_element_type3A {offsets = [12, 0], sizes = [1, 128], strides = [1, 1]} : vector<32x128xf32> to vector<1x128xf32>
    %broadcast_in_dim3A_238 = vector.shape_cast %slice3A_237 : vector<1x128xf32> to vector<1x128xf32>
    %broadcast_in_dim3A_239 = vector.broadcast %broadcast_in_dim3A_238 : vector<1x128xf32> to vector<128x128xf32>
    %select_n3A_240 = arith.select %ge3A_228, %broadcast_in_dim3A_239, %select_n3A_225 : vector<128x128xi1>, vector<128x128xf32>
    %slice3A_241 = vector.extract_strided_slice %add3A_36 {offsets = [12, 0], sizes = [1, 128], strides = [1, 1]} : vector<32x128xf32> to vector<1x128xf32>
    %ge3A_242 = vector.broadcast %slice3A_241 : vector<1x128xf32> to vector<128x128xf32>
    %ge3A_243 = arith.cmpf oge, %mul3A_52, %ge3A_242 : vector<128x128xf32>
    %slice3A_244 = vector.extract_strided_slice %sub3A_45 {offsets = [13, 0], sizes = [1, 128], strides = [1, 1]} : vector<32x128xf32> to vector<1x128xf32>
    %broadcast_in_dim3A_245 = vector.shape_cast %slice3A_244 : vector<1x128xf32> to vector<1x128xf32>
    %broadcast_in_dim3A_246 = vector.broadcast %broadcast_in_dim3A_245 : vector<1x128xf32> to vector<128x128xf32>
    %select_n3A_247 = arith.select %ge3A_243, %broadcast_in_dim3A_246, %select_n3A_232 : vector<128x128xi1>, vector<128x128xf32>
    %slice3A_248 = vector.extract_strided_slice %div3A_40 {offsets = [13, 0], sizes = [1, 128], strides = [1, 1]} : vector<32x128xf32> to vector<1x128xf32>
    %broadcast_in_dim3A_249 = vector.shape_cast %slice3A_248 : vector<1x128xf32> to vector<1x128xf32>
    %broadcast_in_dim3A_250 = vector.broadcast %broadcast_in_dim3A_249 : vector<1x128xf32> to vector<128x128xf32>
    %select_n3A_251 = arith.select %ge3A_243, %broadcast_in_dim3A_250, %select_n3A_236 : vector<128x128xi1>, vector<128x128xf32>
    %slice3A_252 = vector.extract_strided_slice %convert_element_type3A {offsets = [13, 0], sizes = [1, 128], strides = [1, 1]} : vector<32x128xf32> to vector<1x128xf32>
    %broadcast_in_dim3A_253 = vector.shape_cast %slice3A_252 : vector<1x128xf32> to vector<1x128xf32>
    %broadcast_in_dim3A_254 = vector.broadcast %broadcast_in_dim3A_253 : vector<1x128xf32> to vector<128x128xf32>
    %select_n3A_255 = arith.select %ge3A_243, %broadcast_in_dim3A_254, %select_n3A_240 : vector<128x128xi1>, vector<128x128xf32>
    %slice3A_256 = vector.extract_strided_slice %add3A_36 {offsets = [13, 0], sizes = [1, 128], strides = [1, 1]} : vector<32x128xf32> to vector<1x128xf32>
    %ge3A_257 = vector.broadcast %slice3A_256 : vector<1x128xf32> to vector<128x128xf32>
    %ge3A_258 = arith.cmpf oge, %mul3A_52, %ge3A_257 : vector<128x128xf32>
    %slice3A_259 = vector.extract_strided_slice %sub3A_45 {offsets = [14, 0], sizes = [1, 128], strides = [1, 1]} : vector<32x128xf32> to vector<1x128xf32>
    %broadcast_in_dim3A_260 = vector.shape_cast %slice3A_259 : vector<1x128xf32> to vector<1x128xf32>
    %broadcast_in_dim3A_261 = vector.broadcast %broadcast_in_dim3A_260 : vector<1x128xf32> to vector<128x128xf32>
    %select_n3A_262 = arith.select %ge3A_258, %broadcast_in_dim3A_261, %select_n3A_247 : vector<128x128xi1>, vector<128x128xf32>
    %slice3A_263 = vector.extract_strided_slice %div3A_40 {offsets = [14, 0], sizes = [1, 128], strides = [1, 1]} : vector<32x128xf32> to vector<1x128xf32>
    %broadcast_in_dim3A_264 = vector.shape_cast %slice3A_263 : vector<1x128xf32> to vector<1x128xf32>
    %broadcast_in_dim3A_265 = vector.broadcast %broadcast_in_dim3A_264 : vector<1x128xf32> to vector<128x128xf32>
    %select_n3A_266 = arith.select %ge3A_258, %broadcast_in_dim3A_265, %select_n3A_251 : vector<128x128xi1>, vector<128x128xf32>
    %slice3A_267 = vector.extract_strided_slice %convert_element_type3A {offsets = [14, 0], sizes = [1, 128], strides = [1, 1]} : vector<32x128xf32> to vector<1x128xf32>
    %broadcast_in_dim3A_268 = vector.shape_cast %slice3A_267 : vector<1x128xf32> to vector<1x128xf32>
    %broadcast_in_dim3A_269 = vector.broadcast %broadcast_in_dim3A_268 : vector<1x128xf32> to vector<128x128xf32>
    %select_n3A_270 = arith.select %ge3A_258, %broadcast_in_dim3A_269, %select_n3A_255 : vector<128x128xi1>, vector<128x128xf32>
    %slice3A_271 = vector.extract_strided_slice %add3A_36 {offsets = [14, 0], sizes = [1, 128], strides = [1, 1]} : vector<32x128xf32> to vector<1x128xf32>
    %ge3A_272 = vector.broadcast %slice3A_271 : vector<1x128xf32> to vector<128x128xf32>
    %ge3A_273 = arith.cmpf oge, %mul3A_52, %ge3A_272 : vector<128x128xf32>
    %slice3A_274 = vector.extract_strided_slice %sub3A_45 {offsets = [15, 0], sizes = [1, 128], strides = [1, 1]} : vector<32x128xf32> to vector<1x128xf32>
    %broadcast_in_dim3A_275 = vector.shape_cast %slice3A_274 : vector<1x128xf32> to vector<1x128xf32>
    %broadcast_in_dim3A_276 = vector.broadcast %broadcast_in_dim3A_275 : vector<1x128xf32> to vector<128x128xf32>
    %select_n3A_277 = arith.select %ge3A_273, %broadcast_in_dim3A_276, %select_n3A_262 : vector<128x128xi1>, vector<128x128xf32>
    %slice3A_278 = vector.extract_strided_slice %div3A_40 {offsets = [15, 0], sizes = [1, 128], strides = [1, 1]} : vector<32x128xf32> to vector<1x128xf32>
    %broadcast_in_dim3A_279 = vector.shape_cast %slice3A_278 : vector<1x128xf32> to vector<1x128xf32>
    %broadcast_in_dim3A_280 = vector.broadcast %broadcast_in_dim3A_279 : vector<1x128xf32> to vector<128x128xf32>
    %select_n3A_281 = arith.select %ge3A_273, %broadcast_in_dim3A_280, %select_n3A_266 : vector<128x128xi1>, vector<128x128xf32>
    %slice3A_282 = vector.extract_strided_slice %convert_element_type3A {offsets = [15, 0], sizes = [1, 128], strides = [1, 1]} : vector<32x128xf32> to vector<1x128xf32>
    %broadcast_in_dim3A_283 = vector.shape_cast %slice3A_282 : vector<1x128xf32> to vector<1x128xf32>
    %broadcast_in_dim3A_284 = vector.broadcast %broadcast_in_dim3A_283 : vector<1x128xf32> to vector<128x128xf32>
    %select_n3A_285 = arith.select %ge3A_273, %broadcast_in_dim3A_284, %select_n3A_270 : vector<128x128xi1>, vector<128x128xf32>
    %slice3A_286 = vector.extract_strided_slice %add3A_36 {offsets = [15, 0], sizes = [1, 128], strides = [1, 1]} : vector<32x128xf32> to vector<1x128xf32>
    %ge3A_287 = vector.broadcast %slice3A_286 : vector<1x128xf32> to vector<128x128xf32>
    %ge3A_288 = arith.cmpf oge, %mul3A_52, %ge3A_287 : vector<128x128xf32>
    %slice3A_289 = vector.extract_strided_slice %sub3A_45 {offsets = [16, 0], sizes = [1, 128], strides = [1, 1]} : vector<32x128xf32> to vector<1x128xf32>
    %broadcast_in_dim3A_290 = vector.shape_cast %slice3A_289 : vector<1x128xf32> to vector<1x128xf32>
    %broadcast_in_dim3A_291 = vector.broadcast %broadcast_in_dim3A_290 : vector<1x128xf32> to vector<128x128xf32>
    %select_n3A_292 = arith.select %ge3A_288, %broadcast_in_dim3A_291, %select_n3A_277 : vector<128x128xi1>, vector<128x128xf32>
    %slice3A_293 = vector.extract_strided_slice %div3A_40 {offsets = [16, 0], sizes = [1, 128], strides = [1, 1]} : vector<32x128xf32> to vector<1x128xf32>
    %broadcast_in_dim3A_294 = vector.shape_cast %slice3A_293 : vector<1x128xf32> to vector<1x128xf32>
    %broadcast_in_dim3A_295 = vector.broadcast %broadcast_in_dim3A_294 : vector<1x128xf32> to vector<128x128xf32>
    %select_n3A_296 = arith.select %ge3A_288, %broadcast_in_dim3A_295, %select_n3A_281 : vector<128x128xi1>, vector<128x128xf32>
    %slice3A_297 = vector.extract_strided_slice %convert_element_type3A {offsets = [16, 0], sizes = [1, 128], strides = [1, 1]} : vector<32x128xf32> to vector<1x128xf32>
    %broadcast_in_dim3A_298 = vector.shape_cast %slice3A_297 : vector<1x128xf32> to vector<1x128xf32>
    %broadcast_in_dim3A_299 = vector.broadcast %broadcast_in_dim3A_298 : vector<1x128xf32> to vector<128x128xf32>
    %select_n3A_300 = arith.select %ge3A_288, %broadcast_in_dim3A_299, %select_n3A_285 : vector<128x128xi1>, vector<128x128xf32>
    %slice3A_301 = vector.extract_strided_slice %add3A_36 {offsets = [16, 0], sizes = [1, 128], strides = [1, 1]} : vector<32x128xf32> to vector<1x128xf32>
    %ge3A_302 = vector.broadcast %slice3A_301 : vector<1x128xf32> to vector<128x128xf32>
    %ge3A_303 = arith.cmpf oge, %mul3A_52, %ge3A_302 : vector<128x128xf32>
    %slice3A_304 = vector.extract_strided_slice %sub3A_45 {offsets = [17, 0], sizes = [1, 128], strides = [1, 1]} : vector<32x128xf32> to vector<1x128xf32>
    %broadcast_in_dim3A_305 = vector.shape_cast %slice3A_304 : vector<1x128xf32> to vector<1x128xf32>
    %broadcast_in_dim3A_306 = vector.broadcast %broadcast_in_dim3A_305 : vector<1x128xf32> to vector<128x128xf32>
    %select_n3A_307 = arith.select %ge3A_303, %broadcast_in_dim3A_306, %select_n3A_292 : vector<128x128xi1>, vector<128x128xf32>
    %slice3A_308 = vector.extract_strided_slice %div3A_40 {offsets = [17, 0], sizes = [1, 128], strides = [1, 1]} : vector<32x128xf32> to vector<1x128xf32>
    %broadcast_in_dim3A_309 = vector.shape_cast %slice3A_308 : vector<1x128xf32> to vector<1x128xf32>
    %broadcast_in_dim3A_310 = vector.broadcast %broadcast_in_dim3A_309 : vector<1x128xf32> to vector<128x128xf32>
    %select_n3A_311 = arith.select %ge3A_303, %broadcast_in_dim3A_310, %select_n3A_296 : vector<128x128xi1>, vector<128x128xf32>
    %slice3A_312 = vector.extract_strided_slice %convert_element_type3A {offsets = [17, 0], sizes = [1, 128], strides = [1, 1]} : vector<32x128xf32> to vector<1x128xf32>
    %broadcast_in_dim3A_313 = vector.shape_cast %slice3A_312 : vector<1x128xf32> to vector<1x128xf32>
    %broadcast_in_dim3A_314 = vector.broadcast %broadcast_in_dim3A_313 : vector<1x128xf32> to vector<128x128xf32>
    %select_n3A_315 = arith.select %ge3A_303, %broadcast_in_dim3A_314, %select_n3A_300 : vector<128x128xi1>, vector<128x128xf32>
    %slice3A_316 = vector.extract_strided_slice %add3A_36 {offsets = [17, 0], sizes = [1, 128], strides = [1, 1]} : vector<32x128xf32> to vector<1x128xf32>
    %ge3A_317 = vector.broadcast %slice3A_316 : vector<1x128xf32> to vector<128x128xf32>
    %ge3A_318 = arith.cmpf oge, %mul3A_52, %ge3A_317 : vector<128x128xf32>
    %slice3A_319 = vector.extract_strided_slice %sub3A_45 {offsets = [18, 0], sizes = [1, 128], strides = [1, 1]} : vector<32x128xf32> to vector<1x128xf32>
    %broadcast_in_dim3A_320 = vector.shape_cast %slice3A_319 : vector<1x128xf32> to vector<1x128xf32>
    %broadcast_in_dim3A_321 = vector.broadcast %broadcast_in_dim3A_320 : vector<1x128xf32> to vector<128x128xf32>
    %select_n3A_322 = arith.select %ge3A_318, %broadcast_in_dim3A_321, %select_n3A_307 : vector<128x128xi1>, vector<128x128xf32>
    %slice3A_323 = vector.extract_strided_slice %div3A_40 {offsets = [18, 0], sizes = [1, 128], strides = [1, 1]} : vector<32x128xf32> to vector<1x128xf32>
    %broadcast_in_dim3A_324 = vector.shape_cast %slice3A_323 : vector<1x128xf32> to vector<1x128xf32>
    %broadcast_in_dim3A_325 = vector.broadcast %broadcast_in_dim3A_324 : vector<1x128xf32> to vector<128x128xf32>
    %select_n3A_326 = arith.select %ge3A_318, %broadcast_in_dim3A_325, %select_n3A_311 : vector<128x128xi1>, vector<128x128xf32>
    %slice3A_327 = vector.extract_strided_slice %convert_element_type3A {offsets = [18, 0], sizes = [1, 128], strides = [1, 1]} : vector<32x128xf32> to vector<1x128xf32>
    %broadcast_in_dim3A_328 = vector.shape_cast %slice3A_327 : vector<1x128xf32> to vector<1x128xf32>
    %broadcast_in_dim3A_329 = vector.broadcast %broadcast_in_dim3A_328 : vector<1x128xf32> to vector<128x128xf32>
    %select_n3A_330 = arith.select %ge3A_318, %broadcast_in_dim3A_329, %select_n3A_315 : vector<128x128xi1>, vector<128x128xf32>
    %slice3A_331 = vector.extract_strided_slice %add3A_36 {offsets = [18, 0], sizes = [1, 128], strides = [1, 1]} : vector<32x128xf32> to vector<1x128xf32>
    %ge3A_332 = vector.broadcast %slice3A_331 : vector<1x128xf32> to vector<128x128xf32>
    %ge3A_333 = arith.cmpf oge, %mul3A_52, %ge3A_332 : vector<128x128xf32>
    %slice3A_334 = vector.extract_strided_slice %sub3A_45 {offsets = [19, 0], sizes = [1, 128], strides = [1, 1]} : vector<32x128xf32> to vector<1x128xf32>
    %broadcast_in_dim3A_335 = vector.shape_cast %slice3A_334 : vector<1x128xf32> to vector<1x128xf32>
    %broadcast_in_dim3A_336 = vector.broadcast %broadcast_in_dim3A_335 : vector<1x128xf32> to vector<128x128xf32>
    %select_n3A_337 = arith.select %ge3A_333, %broadcast_in_dim3A_336, %select_n3A_322 : vector<128x128xi1>, vector<128x128xf32>
    %slice3A_338 = vector.extract_strided_slice %div3A_40 {offsets = [19, 0], sizes = [1, 128], strides = [1, 1]} : vector<32x128xf32> to vector<1x128xf32>
    %broadcast_in_dim3A_339 = vector.shape_cast %slice3A_338 : vector<1x128xf32> to vector<1x128xf32>
    %broadcast_in_dim3A_340 = vector.broadcast %broadcast_in_dim3A_339 : vector<1x128xf32> to vector<128x128xf32>
    %select_n3A_341 = arith.select %ge3A_333, %broadcast_in_dim3A_340, %select_n3A_326 : vector<128x128xi1>, vector<128x128xf32>
    %slice3A_342 = vector.extract_strided_slice %convert_element_type3A {offsets = [19, 0], sizes = [1, 128], strides = [1, 1]} : vector<32x128xf32> to vector<1x128xf32>
    %broadcast_in_dim3A_343 = vector.shape_cast %slice3A_342 : vector<1x128xf32> to vector<1x128xf32>
    %broadcast_in_dim3A_344 = vector.broadcast %broadcast_in_dim3A_343 : vector<1x128xf32> to vector<128x128xf32>
    %select_n3A_345 = arith.select %ge3A_333, %broadcast_in_dim3A_344, %select_n3A_330 : vector<128x128xi1>, vector<128x128xf32>
    %slice3A_346 = vector.extract_strided_slice %add3A_36 {offsets = [19, 0], sizes = [1, 128], strides = [1, 1]} : vector<32x128xf32> to vector<1x128xf32>
    %ge3A_347 = vector.broadcast %slice3A_346 : vector<1x128xf32> to vector<128x128xf32>
    %ge3A_348 = arith.cmpf oge, %mul3A_52, %ge3A_347 : vector<128x128xf32>
    %slice3A_349 = vector.extract_strided_slice %sub3A_45 {offsets = [20, 0], sizes = [1, 128], strides = [1, 1]} : vector<32x128xf32> to vector<1x128xf32>
    %broadcast_in_dim3A_350 = vector.shape_cast %slice3A_349 : vector<1x128xf32> to vector<1x128xf32>
    %broadcast_in_dim3A_351 = vector.broadcast %broadcast_in_dim3A_350 : vector<1x128xf32> to vector<128x128xf32>
    %select_n3A_352 = arith.select %ge3A_348, %broadcast_in_dim3A_351, %select_n3A_337 : vector<128x128xi1>, vector<128x128xf32>
    %slice3A_353 = vector.extract_strided_slice %div3A_40 {offsets = [20, 0], sizes = [1, 128], strides = [1, 1]} : vector<32x128xf32> to vector<1x128xf32>
    %broadcast_in_dim3A_354 = vector.shape_cast %slice3A_353 : vector<1x128xf32> to vector<1x128xf32>
    %broadcast_in_dim3A_355 = vector.broadcast %broadcast_in_dim3A_354 : vector<1x128xf32> to vector<128x128xf32>
    %select_n3A_356 = arith.select %ge3A_348, %broadcast_in_dim3A_355, %select_n3A_341 : vector<128x128xi1>, vector<128x128xf32>
    %slice3A_357 = vector.extract_strided_slice %convert_element_type3A {offsets = [20, 0], sizes = [1, 128], strides = [1, 1]} : vector<32x128xf32> to vector<1x128xf32>
    %broadcast_in_dim3A_358 = vector.shape_cast %slice3A_357 : vector<1x128xf32> to vector<1x128xf32>
    %broadcast_in_dim3A_359 = vector.broadcast %broadcast_in_dim3A_358 : vector<1x128xf32> to vector<128x128xf32>
    %select_n3A_360 = arith.select %ge3A_348, %broadcast_in_dim3A_359, %select_n3A_345 : vector<128x128xi1>, vector<128x128xf32>
    %slice3A_361 = vector.extract_strided_slice %add3A_36 {offsets = [20, 0], sizes = [1, 128], strides = [1, 1]} : vector<32x128xf32> to vector<1x128xf32>
    %ge3A_362 = vector.broadcast %slice3A_361 : vector<1x128xf32> to vector<128x128xf32>
    %ge3A_363 = arith.cmpf oge, %mul3A_52, %ge3A_362 : vector<128x128xf32>
    %slice3A_364 = vector.extract_strided_slice %sub3A_45 {offsets = [21, 0], sizes = [1, 128], strides = [1, 1]} : vector<32x128xf32> to vector<1x128xf32>
    %broadcast_in_dim3A_365 = vector.shape_cast %slice3A_364 : vector<1x128xf32> to vector<1x128xf32>
    %broadcast_in_dim3A_366 = vector.broadcast %broadcast_in_dim3A_365 : vector<1x128xf32> to vector<128x128xf32>
    %select_n3A_367 = arith.select %ge3A_363, %broadcast_in_dim3A_366, %select_n3A_352 : vector<128x128xi1>, vector<128x128xf32>
    %slice3A_368 = vector.extract_strided_slice %div3A_40 {offsets = [21, 0], sizes = [1, 128], strides = [1, 1]} : vector<32x128xf32> to vector<1x128xf32>
    %broadcast_in_dim3A_369 = vector.shape_cast %slice3A_368 : vector<1x128xf32> to vector<1x128xf32>
    %broadcast_in_dim3A_370 = vector.broadcast %broadcast_in_dim3A_369 : vector<1x128xf32> to vector<128x128xf32>
    %select_n3A_371 = arith.select %ge3A_363, %broadcast_in_dim3A_370, %select_n3A_356 : vector<128x128xi1>, vector<128x128xf32>
    %slice3A_372 = vector.extract_strided_slice %convert_element_type3A {offsets = [21, 0], sizes = [1, 128], strides = [1, 1]} : vector<32x128xf32> to vector<1x128xf32>
    %broadcast_in_dim3A_373 = vector.shape_cast %slice3A_372 : vector<1x128xf32> to vector<1x128xf32>
    %broadcast_in_dim3A_374 = vector.broadcast %broadcast_in_dim3A_373 : vector<1x128xf32> to vector<128x128xf32>
    %select_n3A_375 = arith.select %ge3A_363, %broadcast_in_dim3A_374, %select_n3A_360 : vector<128x128xi1>, vector<128x128xf32>
    %slice3A_376 = vector.extract_strided_slice %add3A_36 {offsets = [21, 0], sizes = [1, 128], strides = [1, 1]} : vector<32x128xf32> to vector<1x128xf32>
    %ge3A_377 = vector.broadcast %slice3A_376 : vector<1x128xf32> to vector<128x128xf32>
    %ge3A_378 = arith.cmpf oge, %mul3A_52, %ge3A_377 : vector<128x128xf32>
    %slice3A_379 = vector.extract_strided_slice %sub3A_45 {offsets = [22, 0], sizes = [1, 128], strides = [1, 1]} : vector<32x128xf32> to vector<1x128xf32>
    %broadcast_in_dim3A_380 = vector.shape_cast %slice3A_379 : vector<1x128xf32> to vector<1x128xf32>
    %broadcast_in_dim3A_381 = vector.broadcast %broadcast_in_dim3A_380 : vector<1x128xf32> to vector<128x128xf32>
    %select_n3A_382 = arith.select %ge3A_378, %broadcast_in_dim3A_381, %select_n3A_367 : vector<128x128xi1>, vector<128x128xf32>
    %slice3A_383 = vector.extract_strided_slice %div3A_40 {offsets = [22, 0], sizes = [1, 128], strides = [1, 1]} : vector<32x128xf32> to vector<1x128xf32>
    %broadcast_in_dim3A_384 = vector.shape_cast %slice3A_383 : vector<1x128xf32> to vector<1x128xf32>
    %broadcast_in_dim3A_385 = vector.broadcast %broadcast_in_dim3A_384 : vector<1x128xf32> to vector<128x128xf32>
    %select_n3A_386 = arith.select %ge3A_378, %broadcast_in_dim3A_385, %select_n3A_371 : vector<128x128xi1>, vector<128x128xf32>
    %slice3A_387 = vector.extract_strided_slice %convert_element_type3A {offsets = [22, 0], sizes = [1, 128], strides = [1, 1]} : vector<32x128xf32> to vector<1x128xf32>
    %broadcast_in_dim3A_388 = vector.shape_cast %slice3A_387 : vector<1x128xf32> to vector<1x128xf32>
    %broadcast_in_dim3A_389 = vector.broadcast %broadcast_in_dim3A_388 : vector<1x128xf32> to vector<128x128xf32>
    %select_n3A_390 = arith.select %ge3A_378, %broadcast_in_dim3A_389, %select_n3A_375 : vector<128x128xi1>, vector<128x128xf32>
    %slice3A_391 = vector.extract_strided_slice %add3A_36 {offsets = [22, 0], sizes = [1, 128], strides = [1, 1]} : vector<32x128xf32> to vector<1x128xf32>
    %ge3A_392 = vector.broadcast %slice3A_391 : vector<1x128xf32> to vector<128x128xf32>
    %ge3A_393 = arith.cmpf oge, %mul3A_52, %ge3A_392 : vector<128x128xf32>
    %slice3A_394 = vector.extract_strided_slice %sub3A_45 {offsets = [23, 0], sizes = [1, 128], strides = [1, 1]} : vector<32x128xf32> to vector<1x128xf32>
    %broadcast_in_dim3A_395 = vector.shape_cast %slice3A_394 : vector<1x128xf32> to vector<1x128xf32>
    %broadcast_in_dim3A_396 = vector.broadcast %broadcast_in_dim3A_395 : vector<1x128xf32> to vector<128x128xf32>
    %select_n3A_397 = arith.select %ge3A_393, %broadcast_in_dim3A_396, %select_n3A_382 : vector<128x128xi1>, vector<128x128xf32>
    %slice3A_398 = vector.extract_strided_slice %div3A_40 {offsets = [23, 0], sizes = [1, 128], strides = [1, 1]} : vector<32x128xf32> to vector<1x128xf32>
    %broadcast_in_dim3A_399 = vector.shape_cast %slice3A_398 : vector<1x128xf32> to vector<1x128xf32>
    %broadcast_in_dim3A_400 = vector.broadcast %broadcast_in_dim3A_399 : vector<1x128xf32> to vector<128x128xf32>
    %select_n3A_401 = arith.select %ge3A_393, %broadcast_in_dim3A_400, %select_n3A_386 : vector<128x128xi1>, vector<128x128xf32>
    %slice3A_402 = vector.extract_strided_slice %convert_element_type3A {offsets = [23, 0], sizes = [1, 128], strides = [1, 1]} : vector<32x128xf32> to vector<1x128xf32>
    %broadcast_in_dim3A_403 = vector.shape_cast %slice3A_402 : vector<1x128xf32> to vector<1x128xf32>
    %broadcast_in_dim3A_404 = vector.broadcast %broadcast_in_dim3A_403 : vector<1x128xf32> to vector<128x128xf32>
    %select_n3A_405 = arith.select %ge3A_393, %broadcast_in_dim3A_404, %select_n3A_390 : vector<128x128xi1>, vector<128x128xf32>
    %slice3A_406 = vector.extract_strided_slice %add3A_36 {offsets = [23, 0], sizes = [1, 128], strides = [1, 1]} : vector<32x128xf32> to vector<1x128xf32>
    %ge3A_407 = vector.broadcast %slice3A_406 : vector<1x128xf32> to vector<128x128xf32>
    %ge3A_408 = arith.cmpf oge, %mul3A_52, %ge3A_407 : vector<128x128xf32>
    %slice3A_409 = vector.extract_strided_slice %sub3A_45 {offsets = [24, 0], sizes = [1, 128], strides = [1, 1]} : vector<32x128xf32> to vector<1x128xf32>
    %broadcast_in_dim3A_410 = vector.shape_cast %slice3A_409 : vector<1x128xf32> to vector<1x128xf32>
    %broadcast_in_dim3A_411 = vector.broadcast %broadcast_in_dim3A_410 : vector<1x128xf32> to vector<128x128xf32>
    %select_n3A_412 = arith.select %ge3A_408, %broadcast_in_dim3A_411, %select_n3A_397 : vector<128x128xi1>, vector<128x128xf32>
    %slice3A_413 = vector.extract_strided_slice %div3A_40 {offsets = [24, 0], sizes = [1, 128], strides = [1, 1]} : vector<32x128xf32> to vector<1x128xf32>
    %broadcast_in_dim3A_414 = vector.shape_cast %slice3A_413 : vector<1x128xf32> to vector<1x128xf32>
    %broadcast_in_dim3A_415 = vector.broadcast %broadcast_in_dim3A_414 : vector<1x128xf32> to vector<128x128xf32>
    %select_n3A_416 = arith.select %ge3A_408, %broadcast_in_dim3A_415, %select_n3A_401 : vector<128x128xi1>, vector<128x128xf32>
    %slice3A_417 = vector.extract_strided_slice %convert_element_type3A {offsets = [24, 0], sizes = [1, 128], strides = [1, 1]} : vector<32x128xf32> to vector<1x128xf32>
    %broadcast_in_dim3A_418 = vector.shape_cast %slice3A_417 : vector<1x128xf32> to vector<1x128xf32>
    %broadcast_in_dim3A_419 = vector.broadcast %broadcast_in_dim3A_418 : vector<1x128xf32> to vector<128x128xf32>
    %select_n3A_420 = arith.select %ge3A_408, %broadcast_in_dim3A_419, %select_n3A_405 : vector<128x128xi1>, vector<128x128xf32>
    %slice3A_421 = vector.extract_strided_slice %add3A_36 {offsets = [24, 0], sizes = [1, 128], strides = [1, 1]} : vector<32x128xf32> to vector<1x128xf32>
    %ge3A_422 = vector.broadcast %slice3A_421 : vector<1x128xf32> to vector<128x128xf32>
    %ge3A_423 = arith.cmpf oge, %mul3A_52, %ge3A_422 : vector<128x128xf32>
    %slice3A_424 = vector.extract_strided_slice %sub3A_45 {offsets = [25, 0], sizes = [1, 128], strides = [1, 1]} : vector<32x128xf32> to vector<1x128xf32>
    %broadcast_in_dim3A_425 = vector.shape_cast %slice3A_424 : vector<1x128xf32> to vector<1x128xf32>
    %broadcast_in_dim3A_426 = vector.broadcast %broadcast_in_dim3A_425 : vector<1x128xf32> to vector<128x128xf32>
    %select_n3A_427 = arith.select %ge3A_423, %broadcast_in_dim3A_426, %select_n3A_412 : vector<128x128xi1>, vector<128x128xf32>
    %slice3A_428 = vector.extract_strided_slice %div3A_40 {offsets = [25, 0], sizes = [1, 128], strides = [1, 1]} : vector<32x128xf32> to vector<1x128xf32>
    %broadcast_in_dim3A_429 = vector.shape_cast %slice3A_428 : vector<1x128xf32> to vector<1x128xf32>
    %broadcast_in_dim3A_430 = vector.broadcast %broadcast_in_dim3A_429 : vector<1x128xf32> to vector<128x128xf32>
    %select_n3A_431 = arith.select %ge3A_423, %broadcast_in_dim3A_430, %select_n3A_416 : vector<128x128xi1>, vector<128x128xf32>
    %slice3A_432 = vector.extract_strided_slice %convert_element_type3A {offsets = [25, 0], sizes = [1, 128], strides = [1, 1]} : vector<32x128xf32> to vector<1x128xf32>
    %broadcast_in_dim3A_433 = vector.shape_cast %slice3A_432 : vector<1x128xf32> to vector<1x128xf32>
    %broadcast_in_dim3A_434 = vector.broadcast %broadcast_in_dim3A_433 : vector<1x128xf32> to vector<128x128xf32>
    %select_n3A_435 = arith.select %ge3A_423, %broadcast_in_dim3A_434, %select_n3A_420 : vector<128x128xi1>, vector<128x128xf32>
    %slice3A_436 = vector.extract_strided_slice %add3A_36 {offsets = [25, 0], sizes = [1, 128], strides = [1, 1]} : vector<32x128xf32> to vector<1x128xf32>
    %ge3A_437 = vector.broadcast %slice3A_436 : vector<1x128xf32> to vector<128x128xf32>
    %ge3A_438 = arith.cmpf oge, %mul3A_52, %ge3A_437 : vector<128x128xf32>
    %slice3A_439 = vector.extract_strided_slice %sub3A_45 {offsets = [26, 0], sizes = [1, 128], strides = [1, 1]} : vector<32x128xf32> to vector<1x128xf32>
    %broadcast_in_dim3A_440 = vector.shape_cast %slice3A_439 : vector<1x128xf32> to vector<1x128xf32>
    %broadcast_in_dim3A_441 = vector.broadcast %broadcast_in_dim3A_440 : vector<1x128xf32> to vector<128x128xf32>
    %select_n3A_442 = arith.select %ge3A_438, %broadcast_in_dim3A_441, %select_n3A_427 : vector<128x128xi1>, vector<128x128xf32>
    %slice3A_443 = vector.extract_strided_slice %div3A_40 {offsets = [26, 0], sizes = [1, 128], strides = [1, 1]} : vector<32x128xf32> to vector<1x128xf32>
    %broadcast_in_dim3A_444 = vector.shape_cast %slice3A_443 : vector<1x128xf32> to vector<1x128xf32>
    %broadcast_in_dim3A_445 = vector.broadcast %broadcast_in_dim3A_444 : vector<1x128xf32> to vector<128x128xf32>
    %select_n3A_446 = arith.select %ge3A_438, %broadcast_in_dim3A_445, %select_n3A_431 : vector<128x128xi1>, vector<128x128xf32>
    %slice3A_447 = vector.extract_strided_slice %convert_element_type3A {offsets = [26, 0], sizes = [1, 128], strides = [1, 1]} : vector<32x128xf32> to vector<1x128xf32>
    %broadcast_in_dim3A_448 = vector.shape_cast %slice3A_447 : vector<1x128xf32> to vector<1x128xf32>
    %broadcast_in_dim3A_449 = vector.broadcast %broadcast_in_dim3A_448 : vector<1x128xf32> to vector<128x128xf32>
    %select_n3A_450 = arith.select %ge3A_438, %broadcast_in_dim3A_449, %select_n3A_435 : vector<128x128xi1>, vector<128x128xf32>
    %slice3A_451 = vector.extract_strided_slice %add3A_36 {offsets = [26, 0], sizes = [1, 128], strides = [1, 1]} : vector<32x128xf32> to vector<1x128xf32>
    %ge3A_452 = vector.broadcast %slice3A_451 : vector<1x128xf32> to vector<128x128xf32>
    %ge3A_453 = arith.cmpf oge, %mul3A_52, %ge3A_452 : vector<128x128xf32>
    %slice3A_454 = vector.extract_strided_slice %sub3A_45 {offsets = [27, 0], sizes = [1, 128], strides = [1, 1]} : vector<32x128xf32> to vector<1x128xf32>
    %broadcast_in_dim3A_455 = vector.shape_cast %slice3A_454 : vector<1x128xf32> to vector<1x128xf32>
    %broadcast_in_dim3A_456 = vector.broadcast %broadcast_in_dim3A_455 : vector<1x128xf32> to vector<128x128xf32>
    %select_n3A_457 = arith.select %ge3A_453, %broadcast_in_dim3A_456, %select_n3A_442 : vector<128x128xi1>, vector<128x128xf32>
    %slice3A_458 = vector.extract_strided_slice %div3A_40 {offsets = [27, 0], sizes = [1, 128], strides = [1, 1]} : vector<32x128xf32> to vector<1x128xf32>
    %broadcast_in_dim3A_459 = vector.shape_cast %slice3A_458 : vector<1x128xf32> to vector<1x128xf32>
    %broadcast_in_dim3A_460 = vector.broadcast %broadcast_in_dim3A_459 : vector<1x128xf32> to vector<128x128xf32>
    %select_n3A_461 = arith.select %ge3A_453, %broadcast_in_dim3A_460, %select_n3A_446 : vector<128x128xi1>, vector<128x128xf32>
    %slice3A_462 = vector.extract_strided_slice %convert_element_type3A {offsets = [27, 0], sizes = [1, 128], strides = [1, 1]} : vector<32x128xf32> to vector<1x128xf32>
    %broadcast_in_dim3A_463 = vector.shape_cast %slice3A_462 : vector<1x128xf32> to vector<1x128xf32>
    %broadcast_in_dim3A_464 = vector.broadcast %broadcast_in_dim3A_463 : vector<1x128xf32> to vector<128x128xf32>
    %select_n3A_465 = arith.select %ge3A_453, %broadcast_in_dim3A_464, %select_n3A_450 : vector<128x128xi1>, vector<128x128xf32>
    %slice3A_466 = vector.extract_strided_slice %add3A_36 {offsets = [27, 0], sizes = [1, 128], strides = [1, 1]} : vector<32x128xf32> to vector<1x128xf32>
    %ge3A_467 = vector.broadcast %slice3A_466 : vector<1x128xf32> to vector<128x128xf32>
    %ge3A_468 = arith.cmpf oge, %mul3A_52, %ge3A_467 : vector<128x128xf32>
    %slice3A_469 = vector.extract_strided_slice %sub3A_45 {offsets = [28, 0], sizes = [1, 128], strides = [1, 1]} : vector<32x128xf32> to vector<1x128xf32>
    %broadcast_in_dim3A_470 = vector.shape_cast %slice3A_469 : vector<1x128xf32> to vector<1x128xf32>
    %broadcast_in_dim3A_471 = vector.broadcast %broadcast_in_dim3A_470 : vector<1x128xf32> to vector<128x128xf32>
    %select_n3A_472 = arith.select %ge3A_468, %broadcast_in_dim3A_471, %select_n3A_457 : vector<128x128xi1>, vector<128x128xf32>
    %slice3A_473 = vector.extract_strided_slice %div3A_40 {offsets = [28, 0], sizes = [1, 128], strides = [1, 1]} : vector<32x128xf32> to vector<1x128xf32>
    %broadcast_in_dim3A_474 = vector.shape_cast %slice3A_473 : vector<1x128xf32> to vector<1x128xf32>
    %broadcast_in_dim3A_475 = vector.broadcast %broadcast_in_dim3A_474 : vector<1x128xf32> to vector<128x128xf32>
    %select_n3A_476 = arith.select %ge3A_468, %broadcast_in_dim3A_475, %select_n3A_461 : vector<128x128xi1>, vector<128x128xf32>
    %slice3A_477 = vector.extract_strided_slice %convert_element_type3A {offsets = [28, 0], sizes = [1, 128], strides = [1, 1]} : vector<32x128xf32> to vector<1x128xf32>
    %broadcast_in_dim3A_478 = vector.shape_cast %slice3A_477 : vector<1x128xf32> to vector<1x128xf32>
    %broadcast_in_dim3A_479 = vector.broadcast %broadcast_in_dim3A_478 : vector<1x128xf32> to vector<128x128xf32>
    %select_n3A_480 = arith.select %ge3A_468, %broadcast_in_dim3A_479, %select_n3A_465 : vector<128x128xi1>, vector<128x128xf32>
    %slice3A_481 = vector.extract_strided_slice %add3A_36 {offsets = [28, 0], sizes = [1, 128], strides = [1, 1]} : vector<32x128xf32> to vector<1x128xf32>
    %ge3A_482 = vector.broadcast %slice3A_481 : vector<1x128xf32> to vector<128x128xf32>
    %ge3A_483 = arith.cmpf oge, %mul3A_52, %ge3A_482 : vector<128x128xf32>
    %slice3A_484 = vector.extract_strided_slice %sub3A_45 {offsets = [29, 0], sizes = [1, 128], strides = [1, 1]} : vector<32x128xf32> to vector<1x128xf32>
    %broadcast_in_dim3A_485 = vector.shape_cast %slice3A_484 : vector<1x128xf32> to vector<1x128xf32>
    %broadcast_in_dim3A_486 = vector.broadcast %broadcast_in_dim3A_485 : vector<1x128xf32> to vector<128x128xf32>
    %select_n3A_487 = arith.select %ge3A_483, %broadcast_in_dim3A_486, %select_n3A_472 : vector<128x128xi1>, vector<128x128xf32>
    %slice3A_488 = vector.extract_strided_slice %div3A_40 {offsets = [29, 0], sizes = [1, 128], strides = [1, 1]} : vector<32x128xf32> to vector<1x128xf32>
    %broadcast_in_dim3A_489 = vector.shape_cast %slice3A_488 : vector<1x128xf32> to vector<1x128xf32>
    %broadcast_in_dim3A_490 = vector.broadcast %broadcast_in_dim3A_489 : vector<1x128xf32> to vector<128x128xf32>
    %select_n3A_491 = arith.select %ge3A_483, %broadcast_in_dim3A_490, %select_n3A_476 : vector<128x128xi1>, vector<128x128xf32>
    %slice3A_492 = vector.extract_strided_slice %convert_element_type3A {offsets = [29, 0], sizes = [1, 128], strides = [1, 1]} : vector<32x128xf32> to vector<1x128xf32>
    %broadcast_in_dim3A_493 = vector.shape_cast %slice3A_492 : vector<1x128xf32> to vector<1x128xf32>
    %broadcast_in_dim3A_494 = vector.broadcast %broadcast_in_dim3A_493 : vector<1x128xf32> to vector<128x128xf32>
    %select_n3A_495 = arith.select %ge3A_483, %broadcast_in_dim3A_494, %select_n3A_480 : vector<128x128xi1>, vector<128x128xf32>
    %slice3A_496 = vector.extract_strided_slice %add3A_36 {offsets = [29, 0], sizes = [1, 128], strides = [1, 1]} : vector<32x128xf32> to vector<1x128xf32>
    %ge3A_497 = vector.broadcast %slice3A_496 : vector<1x128xf32> to vector<128x128xf32>
    %ge3A_498 = arith.cmpf oge, %mul3A_52, %ge3A_497 : vector<128x128xf32>
    %slice3A_499 = vector.extract_strided_slice %sub3A_45 {offsets = [30, 0], sizes = [1, 128], strides = [1, 1]} : vector<32x128xf32> to vector<1x128xf32>
    %broadcast_in_dim3A_500 = vector.shape_cast %slice3A_499 : vector<1x128xf32> to vector<1x128xf32>
    %broadcast_in_dim3A_501 = vector.broadcast %broadcast_in_dim3A_500 : vector<1x128xf32> to vector<128x128xf32>
    %select_n3A_502 = arith.select %ge3A_498, %broadcast_in_dim3A_501, %select_n3A_487 : vector<128x128xi1>, vector<128x128xf32>
    %slice3A_503 = vector.extract_strided_slice %div3A_40 {offsets = [30, 0], sizes = [1, 128], strides = [1, 1]} : vector<32x128xf32> to vector<1x128xf32>
    %broadcast_in_dim3A_504 = vector.shape_cast %slice3A_503 : vector<1x128xf32> to vector<1x128xf32>
    %broadcast_in_dim3A_505 = vector.broadcast %broadcast_in_dim3A_504 : vector<1x128xf32> to vector<128x128xf32>
    %select_n3A_506 = arith.select %ge3A_498, %broadcast_in_dim3A_505, %select_n3A_491 : vector<128x128xi1>, vector<128x128xf32>
    %slice3A_507 = vector.extract_strided_slice %convert_element_type3A {offsets = [30, 0], sizes = [1, 128], strides = [1, 1]} : vector<32x128xf32> to vector<1x128xf32>
    %broadcast_in_dim3A_508 = vector.shape_cast %slice3A_507 : vector<1x128xf32> to vector<1x128xf32>
    %broadcast_in_dim3A_509 = vector.broadcast %broadcast_in_dim3A_508 : vector<1x128xf32> to vector<128x128xf32>
    %select_n3A_510 = arith.select %ge3A_498, %broadcast_in_dim3A_509, %select_n3A_495 : vector<128x128xi1>, vector<128x128xf32>
    %slice3A_511 = vector.extract_strided_slice %add3A_36 {offsets = [30, 0], sizes = [1, 128], strides = [1, 1]} : vector<32x128xf32> to vector<1x128xf32>
    %ge3A_512 = vector.broadcast %slice3A_511 : vector<1x128xf32> to vector<128x128xf32>
    %ge3A_513 = arith.cmpf oge, %mul3A_52, %ge3A_512 : vector<128x128xf32>
    %slice3A_514 = vector.extract_strided_slice %sub3A_45 {offsets = [31, 0], sizes = [1, 128], strides = [1, 1]} : vector<32x128xf32> to vector<1x128xf32>
    %broadcast_in_dim3A_515 = vector.shape_cast %slice3A_514 : vector<1x128xf32> to vector<1x128xf32>
    %broadcast_in_dim3A_516 = vector.broadcast %broadcast_in_dim3A_515 : vector<1x128xf32> to vector<128x128xf32>
    %select_n3A_517 = arith.select %ge3A_513, %broadcast_in_dim3A_516, %select_n3A_502 : vector<128x128xi1>, vector<128x128xf32>
    %slice3A_518 = vector.extract_strided_slice %div3A_40 {offsets = [31, 0], sizes = [1, 128], strides = [1, 1]} : vector<32x128xf32> to vector<1x128xf32>
    %broadcast_in_dim3A_519 = vector.shape_cast %slice3A_518 : vector<1x128xf32> to vector<1x128xf32>
    %broadcast_in_dim3A_520 = vector.broadcast %broadcast_in_dim3A_519 : vector<1x128xf32> to vector<128x128xf32>
    %select_n3A_521 = arith.select %ge3A_513, %broadcast_in_dim3A_520, %select_n3A_506 : vector<128x128xi1>, vector<128x128xf32>
    %slice3A_522 = vector.extract_strided_slice %convert_element_type3A {offsets = [31, 0], sizes = [1, 128], strides = [1, 1]} : vector<32x128xf32> to vector<1x128xf32>
    %broadcast_in_dim3A_523 = vector.shape_cast %slice3A_522 : vector<1x128xf32> to vector<1x128xf32>
    %broadcast_in_dim3A_524 = vector.broadcast %broadcast_in_dim3A_523 : vector<1x128xf32> to vector<128x128xf32>
    %select_n3A_525 = arith.select %ge3A_513, %broadcast_in_dim3A_524, %select_n3A_510 : vector<128x128xi1>, vector<128x128xf32>
    %mul3A_526 = arith.mulf %select_n3A_521, %mul3A_52 : vector<128x128xf32>
    %add3A_527 = arith.addf %select_n3A_517, %mul3A_526 : vector<128x128xf32>
    %slice3A_528 = vector.extract_strided_slice %sub3A_45 {offsets = [31, 0], sizes = [1, 128], strides = [1, 1]} : vector<32x128xf32> to vector<1x128xf32>
    %slice3A_529 = vector.extract_strided_slice %div3A_40 {offsets = [31, 0], sizes = [1, 128], strides = [1, 1]} : vector<32x128xf32> to vector<1x128xf32>
    %mul3A_530 = arith.constant 1.00390625 : f32
    %mul3A_531 = vector.broadcast %mul3A_530 : f32 to vector<1x128xf32>
    %mul3A_532 = arith.mulf %slice3A_529, %mul3A_531 : vector<1x128xf32>
    %add3A_533 = arith.addf %slice3A_528, %mul3A_532 : vector<1x128xf32>
    %slice3A_534 = vector.extract_strided_slice %add3A_527 {offsets = [1, 0], sizes = [127, 128], strides = [1, 1]} : vector<128x128xf32> to vector<127x128xf32>
    %concatenate3A_535 = tpu.concatenate %slice3A_534, %add3A_533 in 0 : vector<127x128xf32>, vector<1x128xf32> -> vector<128x128xf32>
    %slice3A_536 = vector.extract_strided_slice %add3A_527 {offsets = [0, 0], sizes = [1, 128], strides = [1, 1]} : vector<128x128xf32> to vector<1x128xf32>
    %slice3A_537 = vector.extract_strided_slice %add3A_527 {offsets = [0, 0], sizes = [127, 128], strides = [1, 1]} : vector<128x128xf32> to vector<127x128xf32>
    %concatenate3A_538 = tpu.concatenate %slice3A_536, %slice3A_537 in 0 : vector<1x128xf32>, vector<127x128xf32> -> vector<128x128xf32>
    %sub3A_539 = arith.subf %concatenate3A_535, %concatenate3A_538 : vector<128x128xf32>
    %mul3A_540 = arith.constant 5.000000e-01 : f32
    %mul3A_541 = vector.broadcast %mul3A_540 : f32 to vector<128x128xf32>
    %mul3A_542 = arith.mulf %sub3A_539, %mul3A_541 : vector<128x128xf32>
    %max3A_543 = arith.constant 0.000000e+00 : f32
    %max3A_544 = vector.broadcast %max3A_543 : f32 to vector<128x128xf32>
    %max3A_545 = arith.maximumf %mul3A_542, %max3A_544 : vector<128x128xf32>
    %transpose3A_546 = tpu.transpose %add3A_527, [1, 0] : vector<128x128xf32> -> vector<128x128xf32>
    %transpose3A_547 = tpu.transpose %select_n3A_525, [1, 0] : vector<128x128xf32> -> vector<128x128xf32>
    %transpose3A_548 = tpu.transpose %max3A_545, [1, 0] : vector<128x128xf32> -> vector<128x128xf32>
    %swap3A = arith.constant 0 : index
    %swap3A_549 = arith.constant 0 : index
    %swap3A_550 = vector.load %arg10[%swap3A, %swap3A_549] : memref<128x160xf32, #tpu.memory_space<vmem>>, vector<128x128xf32>
    tpu.vector_store %arg10[%swap3A, %swap3A_549], %transpose3A_546 {strides = array<i32>} : memref<128x160xf32, #tpu.memory_space<vmem>>, vector<128x128xf32>,
    %broadcast_in_dim3A_551 = arith.constant 1.000000e+04 : f32
    %broadcast_in_dim3A_552 = vector.broadcast %broadcast_in_dim3A_551 : f32 to vector<128x32xf32>
    %swap3A_553 = arith.constant 0 : index
    %swap3A_554 = arith.constant 128 : index
    %swap3A_555 = vector.load %arg10[%swap3A_553, %swap3A_554] : memref<128x160xf32, #tpu.memory_space<vmem>>, vector<128x32xf32>
    tpu.vector_store %arg10[%swap3A_553, %swap3A_554], %broadcast_in_dim3A_552 {strides = array<i32>} : memref<128x160xf32, #tpu.memory_space<vmem>>, vector<128x32xf32>,
    %convert_element_type3A_556 = arith.fptosi %transpose3A_547 : vector<128x128xf32> to vector<128x128xi32>
    %swap3A_557 = arith.constant 0 : index
    %swap3A_558 = arith.constant 0 : index
    %swap3A_559 = vector.load %arg9[%swap3A_557, %swap3A_558] : memref<128x160xi32, #tpu.memory_space<vmem>>, vector<128x128xi32>
    tpu.vector_store %arg9[%swap3A_557, %swap3A_558], %convert_element_type3A_556 {strides = array<i32>} : memref<128x160xi32, #tpu.memory_space<vmem>>, vector<128x128xi32>,
    %broadcast_in_dim3A_560 = arith.constant -1 : i32
    %broadcast_in_dim3A_561 = vector.broadcast %broadcast_in_dim3A_560 : i32 to vector<128x32xi32>
    %swap3A_562 = arith.constant 0 : index
    %swap3A_563 = arith.constant 128 : index
    %swap3A_564 = vector.load %arg9[%swap3A_562, %swap3A_563] : memref<128x160xi32, #tpu.memory_space<vmem>>, vector<128x32xi32>
    tpu.vector_store %arg9[%swap3A_562, %swap3A_563], %broadcast_in_dim3A_561 {strides = array<i32>} : memref<128x160xi32, #tpu.memory_space<vmem>>, vector<128x32xi32>,
    %swap3A_565 = arith.constant 0 : index
    %swap3A_566 = arith.constant 0 : index
    %swap3A_567 = vector.load %arg11[%swap3A_565, %swap3A_566] : memref<128x160xf32, #tpu.memory_space<vmem>>, vector<128x128xf32>
    tpu.vector_store %arg11[%swap3A_565, %swap3A_566], %transpose3A_548 {strides = array<i32>} : memref<128x160xf32, #tpu.memory_space<vmem>>, vector<128x128xf32>,
    %broadcast_in_dim3A_568 = arith.constant 0.000000e+00 : f32
    %broadcast_in_dim3A_569 = vector.broadcast %broadcast_in_dim3A_568 : f32 to vector<128x32xf32>
    %swap3A_570 = arith.constant 0 : index
    %swap3A_571 = arith.constant 128 : index
    %swap3A_572 = vector.load %arg11[%swap3A_570, %swap3A_571] : memref<128x160xf32, #tpu.memory_space<vmem>>, vector<128x32xf32>
    tpu.vector_store %arg11[%swap3A_570, %swap3A_571], %broadcast_in_dim3A_569 {strides = array<i32>} : memref<128x160xf32, #tpu.memory_space<vmem>>, vector<128x32xf32>,
    %get3A_573 = arith.constant 0 : index
    %get3A_574 = arith.constant 0 : index
    %get3A_575 = vector.load %arg1[%get3A_573, %get3A_574] : memref<128x3xf32, #tpu.memory_space<vmem>>, vector<128x3xf32>
    %get3A_576 = arith.constant 0 : index
    %get3A_577 = arith.constant 0 : index
    %get3A_578 = vector.load %arg2[%get3A_576, %get3A_577] : memref<128x3xf32, #tpu.memory_space<vmem>>, vector<128x3xf32>
    %broadcast_in_dim3A_579 = arith.constant 1.000000e+04 : f32
    %broadcast_in_dim3A_580 = vector.broadcast %broadcast_in_dim3A_579 : f32 to vector<128x32xf32>
    %concatenate3A_581 = tpu.concatenate %transpose3A_546, %broadcast_in_dim3A_580 in 1 : vector<128x128xf32>, vector<128x32xf32> -> vector<128x160xf32>
    %slice3A_582 = vector.extract_strided_slice %get3A_575 {offsets = [0, 0], sizes = [128, 1], strides = [1, 1]} : vector<128x3xf32> to vector<128x1xf32>
    %slice3A_583 = vector.extract_strided_slice %get3A_578 {offsets = [0, 0], sizes = [128, 1], strides = [1, 1]} : vector<128x3xf32> to vector<128x1xf32>
    %mul3A_584 = vector.broadcast %slice3A_583 : vector<128x1xf32> to vector<128x160xf32>
    %mul3A_585 = arith.mulf %concatenate3A_581, %mul3A_584 : vector<128x160xf32>
    %add3A_586 = vector.broadcast %slice3A_582 : vector<128x1xf32> to vector<128x160xf32>
    %add3A_587 = arith.addf %add3A_586, %mul3A_585 : vector<128x160xf32>
    %swap3A_588 = arith.constant 0 : index
    %swap3A_589 = arith.constant 0 : index
    %swap3A_590 = vector.load %arg6[%swap3A_588, %swap3A_589] : memref<128x160xf32, #tpu.memory_space<vmem>>, vector<128x160xf32>
    tpu.vector_store %arg6[%swap3A_588, %swap3A_589], %add3A_587 {strides = array<i32>} : memref<128x160xf32, #tpu.memory_space<vmem>>, vector<128x160xf32>,
    %slice3A_591 = vector.extract_strided_slice %get3A_575 {offsets = [0, 1], sizes = [128, 1], strides = [1, 1]} : vector<128x3xf32> to vector<128x1xf32>
    %slice3A_592 = vector.extract_strided_slice %get3A_578 {offsets = [0, 1], sizes = [128, 1], strides = [1, 1]} : vector<128x3xf32> to vector<128x1xf32>
    %mul3A_593 = vector.broadcast %slice3A_592 : vector<128x1xf32> to vector<128x160xf32>
    %mul3A_594 = arith.mulf %concatenate3A_581, %mul3A_593 : vector<128x160xf32>
    %add3A_595 = vector.broadcast %slice3A_591 : vector<128x1xf32> to vector<128x160xf32>
    %add3A_596 = arith.addf %add3A_595, %mul3A_594 : vector<128x160xf32>
    %swap3A_597 = arith.constant 0 : index
    %swap3A_598 = arith.constant 0 : index
    %swap3A_599 = vector.load %arg7[%swap3A_597, %swap3A_598] : memref<128x160xf32, #tpu.memory_space<vmem>>, vector<128x160xf32>
    tpu.vector_store %arg7[%swap3A_597, %swap3A_598], %add3A_596 {strides = array<i32>} : memref<128x160xf32, #tpu.memory_space<vmem>>, vector<128x160xf32>,
    %slice3A_600 = vector.extract_strided_slice %get3A_575 {offsets = [0, 2], sizes = [128, 1], strides = [1, 1]} : vector<128x3xf32> to vector<128x1xf32>
    %slice3A_601 = vector.extract_strided_slice %get3A_578 {offsets = [0, 2], sizes = [128, 1], strides = [1, 1]} : vector<128x3xf32> to vector<128x1xf32>
    %mul3A_602 = vector.broadcast %slice3A_601 : vector<128x1xf32> to vector<128x160xf32>
    %mul3A_603 = arith.mulf %concatenate3A_581, %mul3A_602 : vector<128x160xf32>
    %add3A_604 = vector.broadcast %slice3A_600 : vector<128x1xf32> to vector<128x160xf32>
    %add3A_605 = arith.addf %add3A_604, %mul3A_603 : vector<128x160xf32>
    %swap3A_606 = arith.constant 0 : index
    %swap3A_607 = arith.constant 0 : index
    %swap3A_608 = vector.load %arg8[%swap3A_606, %swap3A_607] : memref<128x160xf32, #tpu.memory_space<vmem>>, vector<128x160xf32>
    tpu.vector_store %arg8[%swap3A_606, %swap3A_607], %add3A_605 {strides = array<i32>} : memref<128x160xf32, #tpu.memory_space<vmem>>, vector<128x160xf32>,
    return
  }
  func.func @transform_0(%arg0: i32) -> (i32, i32) {
    %c0_i32 = arith.constant 0 : i32
    %c0_i32_0 = arith.constant 0 : i32
    return %arg0, %c0_i32 : i32, i32
  }
  func.func @transform_1(%arg0: i32) -> (i32, i32) {
    %c0_i32 = arith.constant 0 : i32
    %c0_i32_0 = arith.constant 0 : i32
    return %arg0, %c0_i32 : i32, i32
  }
  func.func @transform_2(%arg0: i32) -> (i32, i32) {
    %c0_i32 = arith.constant 0 : i32
    %c0_i32_0 = arith.constant 0 : i32
    return %arg0, %c0_i32 : i32, i32
  }
  func.func @transform_3(%arg0: i32) -> (i32, i32) {
    %c0_i32 = arith.constant 0 : i32
    %c0_i32_0 = arith.constant 0 : i32
    return %arg0, %c0_i32 : i32, i32
  }
  func.func @transform_4(%arg0: i32) -> (i32, i32) {
    %c0_i32 = arith.constant 0 : i32
    %c0_i32_0 = arith.constant 0 : i32
    return %arg0, %c0_i32 : i32, i32
  }
  func.func @transform_5(%arg0: i32) -> (i32, i32) {
    %c0_i32 = arith.constant 0 : i32
    %c0_i32_0 = arith.constant 0 : i32
    return %arg0, %c0_i32 : i32, i32
  }
  func.func @transform_6(%arg0: i32) -> (i32, i32) {
    %c0_i32 = arith.constant 0 : i32
    %c0_i32_0 = arith.constant 0 : i32
    return %arg0, %c0_i32 : i32, i32
  }
  func.func @transform_7(%arg0: i32) -> (i32, i32) {
    %c0_i32 = arith.constant 0 : i32
    %c0_i32_0 = arith.constant 0 : i32
    return %arg0, %c0_i32 : i32, i32
  }
  func.func @transform_8(%arg0: i32) -> (i32, i32) {
    %c0_i32 = arith.constant 0 : i32
    %c0_i32_0 = arith.constant 0 : i32
    return %arg0, %c0_i32 : i32, i32
  }
  func.func @transform_9(%arg0: i32) -> (i32, i32) {
    %c0_i32 = arith.constant 0 : i32
    %c0_i32_0 = arith.constant 0 : i32
    return %arg0, %c0_i32 : i32, i32
  }
  func.func @transform_10(%arg0: i32) -> (i32, i32) {
    %c0_i32 = arith.constant 0 : i32
    %c0_i32_0 = arith.constant 0 : i32
    return %arg0, %c0_i32 : i32, i32
  }
}

</mosaic_0001>

<sc_bundles>
// kernel: sparse-core-data-format-call.cloned.1.call-start
scs
called_computation_lowered:
.L_overlay_start_0:
0x0: {  	s2 =	sld [smem:$0x3FD9]  }
0x1: {  	s3 =	sld [smem:$0x3FFE];
	_ =	sdelay $0x1  }
0x2: {  	s1 =	srdreg.scid  }
0x3: {  	s0 =	sand.u32 $0x1, s1  }
0x4: {  	s15 =	sshll.u32 s0, $0xA;
	s2 =	sadd.s32 s3, s2  }
0x5: {  	s2 =	sadd.s32 s2, s15  }
0x6: {  	[smem:$0x3FC3] =	sst s2  }
0x7: {  	_ = 	snop  }
0x8: {  	s2 =	sld [smem:$0x3FD0];
	_ =	sdelay $0x2  }
0x9: {  	s16 =	simm.s32 $0xA;
	s4 =	simm.s32 $0x10  }
0xa: {  	[smem:s4], [sflag:s16] =	dma.local [hbm:s2], $0x1  }
0xb: {  	_ =	swait.eq [sflag:s16], $0x1  }
0xc: {  	[sflag:s16] =	ssyncset.done $0x0  }
0xd: {  	[sflag:s16] =	ssyncadd.s32 $0xFFFFFFFF  }
0xe: {  	s17 =	sld [smem:$0x10];
	(tm) =	ssettm $0x1  }
0xf: {  	s18 =	sld [smem:$0x3FFB];
	_ =	sdelay $0x3  }
0x10: {  	_ =	strace s18  }
0x11: {  	s3 =	sld [smem:$0x3FFC];
	_ =	sdelay $0x3  }
0x12: {  	_ =	strace s3  }
0x13: {  	s3 =	sld [smem:$0x3FFD];
	_ =	sdelay $0x3  }
0x14: {  	_ =	strace s3  }
0x15: {  	_ =	strace $0x8FFFFFFF  }
0x16: {  	s19 =	sld [smem:$0x3FDB];
	_ =	sdelay $0x1  }
0x17: {  	s20 =	simm.s32 $_scs_section_size  }
0x18: {  	s5 =	simm.s32 $_size__tile_overlayer_lowered;
	s6 =	simm.s32 $_tile_overlayer_lowered  }
0x19: {  	s23 =	simm.s32 $0x1BFF;
	s22 =	sshll.u32 s6, $0x1;
	s3 =	sadd.s32 s20, s19  }
0x1a: {  	s7 =	simm.s32 $0x0;
	s21 =	sshll.u32 s5, $0x1;
	s5 =	sadd.s32 s22, s3  }
0x1b: {  	[timem:s7], [sflag:s23] =	dma.local [hbm:s5], s21  }
0x1c: {  	_ =	swait.ge [sflag:s23], s21  }
0x1d: {  	s4 =	ssub.s32 $0x0, s21;
	[sflag:s23] =	ssyncset.done $0x0  }
0x1e: {  	[sflag:s23] =	ssyncadd.s32 s4;
	_ =	sdelay $0x1  }
0x1f: {  	s24 =	simm.s32 $0x1B8B  }
0x20: {  	_ =	swait.ge [sflag:s24], $0x1  }
0x21: {  	[sflag:s24] =	ssyncset.done $0x0  }
0x22: {  	s26 =	simm.s32 $0x1B8E;
	s25 =	sld [smem:$0x3FFE];
	[sflag:s24] =	ssyncadd.s32 $0xFFFFFFFF  }
0x23: {  	s27 =	simm.s32 $execute0_lowered;
	[smem:$0x3FD2] =	sst s26  }
0x24: {  	s5 =	sshll.u32 s27, $0x1;
	_ =	strace $0x80000046;
	[dreg:$0x1] =	wrdreg $0xFFFFFFFF  }
0x25: {  	s28 =	simm.s32 $_size_execute0_lowered;
	s3 =	sadd.s32 s3, s5;
	[dreg:$0x0] =	wrdreg $0x0  }
0x26: {  	s5 =	sshll.u32 s28, $0x1;
	[dreg:$0x2] =	wrdreg s3  }
0x27: {  	[dreg:$0x3] =	wrdreg s5  }
0x28: {  	[dreg:$0x4] =	wrdreg $0xC0  }
0x29: {  	_ =	task [dreg:s7], $0x5FFFF  }
0x2a: {  	[dreg:$0x1] =	wrdreg $0xFFFFFFFF  }
0x2b: {  	[dreg:$0x0] =	wrdreg $0x60  }
0x2c: {  	[dreg:$0x2] =	wrdreg s25  }
0x2d: {  	[dreg:$0x3] =	wrdreg s17  }
0x2e: {  	[dreg:$0x4] =	wrdreg $0x9  }
0x2f: {  	_ =	task.clear_ibuf [dreg:s7], $0x5FFFF;
	_ =	strace $0x90000046  }
0x30: {  	s29 =	simm.s32 $0x9;
	_ =	strace $0x80000048  }
0x31: {  	_ =	swait.ge [sflag:s29], $0x1  }
0x32: {  	[sflag:s29] =	ssyncadd.s32 $0xFFFFFFFF  }
0x33: {  	_ =	strace $0x90000048  }
0x34: {  	_ =	sfence  }
0x35: {  	s30 =	sld [smem:$0x0];
	_ =	sdelay $0x2  }
0x36: {  	s31 =	sshll.u32 s1, $0xD;
	s1 =	sshrl.u32 s1, $0x2  }
0x37: {  	s3 =	sand.u32 $0x4000, s31;
	s1 =	sadd.s32 s1, s30  }
0x38: {  	s0 =	sor.u32 s3, s0;
	s1 =	sshll.u32 s1, $0x11  }
0x39: {  	s0 =	sor.u32 s1, s0  }
0x3a: {  	s0 =	sadd.s32 $0x8F2B, s0  }
0x3b: {  	[sflag:s0] =	ssyncadd.remote.s32 $0x1  }
0x3c: {  	_ =	sfence.sel $0xFFFF  }
0x3d: {  	[dreg:$0x0] =	wrdreg $0xFFFFFFFF;
	(pc) =	sbr.abs _section_cstart, $3  }
0x3e: {  	[dreg:$0x1] =	wrdreg $0xFFFFFFFF  }
0x3f: {  	_ =	task.clear_ibuf [dreg:s7], $0x2FFFF;
	_ =	strace $0x9FFFFFFF  }
0x40: {  	(tm) =	ssettm $0x7FFFFFFF  }
0x41: {  	_ =	shalt  }
tec
execute0_lowered:
.L_overlay_start_1:
0x0: {  	(tag) =	ssettag $0x1  }
0x1: {  	s0 =	srdreg.scid;
	s6 =	rddreg [dreg:$0x0]  }
0x2: {  	s3 =	rddreg [dreg:$0x1];
	s1 =	sshll.u32 s0, $0x4  }
0x3: {  	s5 =	simm.s32 $0x1;
	s0 =	stileid.u32;
	s1 =	sand.u32 $0x10, s1  }
0x4: {  	s31 =	simm.s32 $0x2;
	s16 =	simm.s32 $0x0;
	s1 =	sor.u32 s0, s1  }
0x5: {  	s8 =	simm.s32 $0x80000;
	s17 =	simm.s32 $0x0;
	s2 =	sshll.u32 s1, $0x7  }
0x6: {  	s18 =	simm.s32 $0x0;
	s9 =	simm.s32 $0x0;
	s4 =	ssub.s32 $0x10000, s2  }
0x7: {  	s10 =	simm.s32 $0x0;
	s11 =	simm.s32 $0x0;
	s30 =	sand.u32 $0xF80, s4  }
0x8: {  	s12 =	simm.s32 $0x0;
	s14 =	simm.s32 $0x0;
	p0 =	sne.s32 s30, $0x0  }
.Ltmp0:
0x9: {  	s7 =	sshrl.u32 s4, $0xC;
	s5 =	simm.s32 @!p0 $0x0;
	(pc) =	sbr.rel .LBB1_1-.Ltmp0, $4  }
0xa: {  	s15 =	simm.s32 $0x0;
	s1 =	rddreg [dreg:$0x2];
	s5 =	sadd.s32 s5, s7  }
0xb: {  	_ =	strace $0x80000047;
	s4 =	simm.s32 $0x1;
	s5 =	smul.u32 $0x6, s5  }
0xc: {  	s6 =	sadd.s32 $0xC01E00, s6;
	s13 =	smov.u32 s2;
	[sflag:s4] =	ssyncpa.u1 $0x0  }
0xd: {  	[sflag:s31] =	ssyncpa.u1 $0x0;
	p0 =	por $0x0, $0x0;
	s7 =	sor.u32 $0x1, s5  }
.LBB1_4:
0xe: {  	s23 =	sshra.s32 s23, $0x2  }
0xf: {  	s24 =	sand.u32 $0x78, s10;
	s25 =	sshll.u32 s9, $0x10;
	s26 =	sshll.u32 s10, $0x3  }
0x10: {  	p1 =	sgt.s32 s11, $0x2;
	s30 =	sshra.s32 s11, $0x1F;
	s31 =	sshra.s32 s9, $0x1F  }
0x11: {  	s25 =	sand.u32 $0xFFF80000, s25;
	s27 =	sand.u32 $0xFFFFFC00, s26;
	s26 =	sand.u32 $0xFC00, s26  }
0x12: {  	s22 =	sadd.s32 s23, s22;
	s29 =	sadd.s32 s27, s25;
	s24 =	sor.u32 s24, s26  }
0x13: {  	s25 =	smov.u32 s11;
	s26 =	sand.u32 s30, s11;
	s27 =	smov.u32 s9  }
0x14: {  	s23 =	sshrl.u32 s29, $0x10;
	s25 =	simm.s32 @!p1 $0x2;
	p1 =	sgt.s32 s9, $0x20  }
0x15: {  	s29 =	sshra.s32 s10, $0x1F;
	s25 =	ssub.s32 s25, s26;
	s27 =	simm.s32 @!p1 $0x20  }
0x16: {  	p1 =	sgt.s32 s10, $0xFF80;
	s26 =	smov.u32 s10;
	s29 =	sand.u32 s29, s10  }
0x17: {  	v5 =	vld [tilespmem:s20+$0xFFFFFFD0];
	[tilespmem:s21+$0x2040 ss:$0x81] =	vst.msk $0xffff, v4;
	s30 =	smul.u32 $0xCCCD, s23;
	s28 =	sadd.s32 $0xFFFFFFFE, s25;
	s26 =	simm.s32 @!p1 $0xFF80  }
0x18: {  	v58 =	vld [tilespmem:s20+$0xFFFFFFE0];
	[tilespmem:s21+$0x2850 ss:$0x81] =	vst.msk $0xffff, v3;
	s25 =	ssub.s32 $0x3, s25;
	p1 =	sgt.s32 s28, $0x0;
	s28 =	sand.u32 s31, s9  }
0x19: {  	v59 =	vld [tilespmem:s20+$0xFFFFFFF0];
	[tilespmem:s21+$0x3060 ss:$0x81] =	vst.msk $0xffff, v2;
	s26 =	ssub.s32 s26, s29;
	s30 =	sshrl.u32 s30, $0x17;
	s27 =	ssub.s32 s27, s28  }
0x1a: {  	[tilespmem:s21+$0x0 ss:$0x81] =	vst.msk $0xffff, v1;
	v60 =	vld [tilespmem:s20+$0x0];
	s31 =	sadd.s32 $0xFFFF0080, s26;
	s25 =	simm.s32 @p1 $0x0;
	s21 =	ssub.s32 $0x10000, s26  }
0x1b: {  	v61 =	vld [tilespmem:s20+$0x10];
	[tilespmem:s22+$0x3870 ss:$0x81] =	vst.msk $0xffff, v0;
	s26 =	smul.u32 $0xA0, s30;
	p1 =	sgt.s32 s31, $0x7F;
	s31 =	sadd.s32 $0xFFFFFFE0, s27  }
0x1c: {  	v62 =	vld [tilespmem:s20+$0x20];
	[tilespmem:s22+$0x810 ss:$0x81] =	vst.msk $0xffff, v5;
	s29 =	sshll.u32 s9, $0x7;
	s21 =	simm.s32 @p1 $0x0;
	p1 =	sgt.s32 s31, $0x7F  }
0x1d: {  	v63 =	vld [tilespmem:s20+$0xFFFFFFC0];
	[tilespmem:s22+$0x1020 ss:$0x81] =	vst.msk $0xffff, v58;
	s31 =	sand.u32 $0x380, s29;
	s23 =	ssub.s32 s23, s26;
	s30 =	smul.u32 s25, s21  }
0x1e: {  	[tilespmem:s22+$0x1830 ss:$0x81] =	vst.msk $0xffff, v59;
	s29 =	sand.u32 $0x7, s10;
	s25 =	ssub.s32 $0xA0, s27;
	s27 =	smul.u32 $0x140000, s11  }
0x1f: {  	[tilespmem:s22+$0x2040 ss:$0x81] =	vst.msk $0xffff, v60;
	s21 =	sor.u32 s31, s24;
	s23 =	sand.u32 $0xFFFF, s23;
	s25 =	simm.s32 @p1 $0x0  }
0x20: {  	[tilespmem:s22+$0x2850 ss:$0x81] =	vst.msk $0xffff, v61;
	s21 =	sshrl.u32 s21, $0x3;
	s20 =	smul.u32 s25, s30;
	s28 =	sadd.s32 s3, s27  }
0x21: {  	[tilespmem:s22+$0x3060 ss:$0x81] =	vst.msk $0xffff, v62;
	s23 =	sshll.u32 s23, $0xD;
	s30 =	sshll.u32 s29, $0x12;
	s21 =	sadd.s32 s21, s28  }
0x22: {  	[tilespmem:s22+$0x0 ss:$0x81] =	vst.msk $0xffff, v63;
	s31 =	sor.u32 $0x400, s30;
	s20 =	sand.u32 $0x3FFFFFFF, s20;
	s21 =	sadd.s32 s23, s21  }
0x23: {  	[hbm4b:s21+s31] =	stream.strided.scatter [tilespmem:s19], [sflag:$0x2], s20, s8, s31, $0x20;
	[tilespmem:$0x10100] =	vst v63  }
.LBB1_5:
0x24: {  	p1 =	slt.u32 s15, $0x2  }
0x25: {  	s19 =	smov.u32 s18;
	p2 =	sgt.s32 @!p1 s18, $0x2  }
0x26: {  	s20 =	sshra.s32 @!p1 s18, $0x1F;
	p3 =	sgt.s32 @!p1 s16, $0x20;
	p4 =	sgt.s32 @!p1 s17, $0xFF80  }
0x27: {  	s21 =	sshra.s32 @!p1 s17, $0x1F;
	p2 =	por !p2, p1;
	s18 =	sand.u32 @!p1 s20, s18  }
0x28: {  	p4 =	por !p4, p1;
	s20 =	smov.u32 s17;
	s19 =	simm.s32 @p2 $0x2  }
0x29: {  	s17 =	sand.u32 @!p1 s21, s17;
	s20 =	simm.s32 @p4 $0xFF80;
	s18 =	ssub.s32 @!p1 s19, s18  }
0x2a: {  	p3 =	por !p3, p1;
	s17 =	ssub.s32 @!p1 s20, s17;
	s19 =	sadd.s32 @!p1 $0xFFFFFFFE, s18  }
0x2b: {  	s20 =	sshra.s32 @!p1 s16, $0x1F;
	s18 =	ssub.s32 @!p1 $0x3, s18;
	p2 =	sgt.s32 @!p1 s19, $0x0  }
0x2c: {  	s19 =	smov.u32 s16;
	s16 =	sand.u32 @!p1 s20, s16;
	s20 =	sadd.s32 @!p1 $0xFFFF0080, s17  }
0x2d: {  	s17 =	ssub.s32 @!p1 $0x10000, s17;
	s19 =	simm.s32 @p3 $0x20;
	p2 =	por !p2, p1  }
0x2e: {  	s18 =	simm.s32 @!p2 $0x0;
	s16 =	ssub.s32 @!p1 s19, s16;
	p2 =	sgt.s32 @!p1 s20, $0x7F  }
0x2f: {  	s20 =	smov.u32 s13;
	s19 =	sadd.s32 @!p1 $0xFFFFFFE0, s16;
	p2 =	por !p2, p1  }
0x30: {  	s16 =	ssub.s32 @!p1 $0xA0, s16;
	s17 =	simm.s32 @!p2 $0x0;
	p2 =	sgt.s32 @!p1 s19, $0x7F  }
0x31: {  	s19 =	sadd.s32 $0x80, s12;
	p2 =	por !p2, p1;
	s17 =	smul.u32 @!p1 s18, s17  }
0x32: {  	s18 =	sadd.s32 $0x1000, s13;
	s16 =	simm.s32 @!p2 $0x0;
	p2 =	sgt.s32 s19, $0x9F  }
0x33: {  	s16 =	smul.u32 @!p1 s16, s17;
	s20 =	smov.u32 @p2 s18  }
0x34: {  	s19 =	simm.s32 @p2 $0x0;
	s17 =	simm.s32 $0x1;
	p2 =	sgt.s32 s20, $0xFFFF  }
0x35: {  	s17 =	simm.s32 @!p2 $0x0  }
0x36: {  	p0 =	por !p0, !p0;
	s23 =	sadd.s32 s17, s14  }
0x37: {  	s21 =	simm.s32 @!p1 $0x2;
	s20 =	smov.u32 @p2 s2;
	p2 =	sgt.s32 s23, $0x2  }
0x38: {  	s18 =	smov.u32 s11;
	s23 =	simm.s32 @p2 $0x0;
	p2 =	sne.s32 s15, s7  }
.Ltmp1:
0x39: {  	s11 =	smov.u32 s14;
	s16 =	sand.u32 @!p1 $0x3FFFFFFF, s16;
	(pc) =	sbr.rel @!p2 .LBB1_6-.Ltmp1, $4  }
0x3a: {  	_ =	swait.ge @!p1 [sflag:s21], s16;
	s22 =	ssub.s32 @!p1 $0x0, s16;
	s16 =	smov.u32 s9  }
0x3b: {  	s17 =	smov.u32 s10;
	s9 =	smov.u32 s12;
	s10 =	smov.u32 s13  }
0x3c: {  	s12 =	smov.u32 s19;
	s13 =	smov.u32 s20;
	[sflag:s21] =	ssyncset.done @!p1 $0x0  }
0x3d: {  	s15 =	sadd.s32 $0x1, s15;
	[sflag:s21] =	ssyncadd.s32 @!p1 s22;
	s14 =	smov.u32 s23  }
.LBB1_1:
0x3e: {  	p1 =	sge.u32 s15, s5  }
0x3f: {  	s31 =	sadd.s32 $0xFFFFFFFF, s15;
	s19 =	sxor.u32 @!p1 $0xFFFFFFFF, s15  }
0x40: {  	s20 =	sshll.u32 @!p1 s13, $0x8;
	s21 =	sshll.u32 @!p1 s12, $0x3;
	s23 =	sand.u32 @!p1 $0x78, s12  }
0x41: {  	s22 =	sshll.u32 @!p1 s13, $0x7;
	s20 =	sand.u32 @!p1 $0xFFF800, s20;
	s21 =	sand.u32 @!p1 $0xFFFC00, s21  }
0x42: {  	s19 =	sshll.u32 @!p1 s19, $0xE;
	s20 =	sadd.s32 @!p1 s20, s21;
	s21 =	sand.u32 @!p1 $0x300, s22  }
0x43: {  	s19 =	sand.u32 @!p1 $0x4000, s19;
	s20 =	sor.u32 @!p1 s21, s20;
	s21 =	sand.u32 @!p1 $0x80, s22  }
0x44: {  	s22 =	sshll.u32 @!p1 s14, $0x15;
	s21 =	sor.u32 @!p1 s23, s21;
	s20 =	sshrl.u32 @!p1 s20, $0x3  }
0x45: {  	s22 =	sadd.s32 @!p1 s6, s22;
	s23 =	sand.u32 @!p1 $0x7, s12;
	s21 =	sshrl.u32 @!p1 s21, $0x3  }
0x46: {  	s20 =	sand.u32 @!p1 $0x1FFFE0, s20;
	s21 =	sadd.s32 @!p1 s21, s22;
	s22 =	sshll.u32 @!p1 s23, $0x12  }
0x47: {  	s20 =	sadd.s32 @!p1 s20, s21;
	s21 =	sor.u32 @!p1 $0x400, s22;
	s22 =	simm.s32 @!p1 $0x800  }
0x48: {  	[tilespmem:s19], [sflag:$0x1] =	stream.strided.gather @!p1 [hbm4b:s20+s21], $0x4000, s22, s21, $0x38;
	[tilespmem:$0x10100] =	vst v63  }
0x49: {  	p1 =	sge.u32 s31, s5  }
.Ltmp2:
0x4a: {  	_ = 	snop;
	(pc) =	sbr.rel @p1 .LBB1_5-.Ltmp2, $1  }
0x4b: {  	_ =	sdelay $0x3  }
0x4c: {  	s19 =	simm.s32 $0x1  }
0x4d: {  	_ =	swait.ge [sflag:s4], $0x4000;
	s19 =	simm.s32 @!p0 $0x0  }
0x4e: {  	[sflag:s4] =	ssyncset.done $0x0;
	s20 =	sshll.u32 s19, $0xE  }
0x4f: {  	[sflag:s4] =	ssyncadd.s32 $0xFFFFC000;
	s20 =	sor.u32 $0x40, s20  }
0x50: {  	s19 =	smul.u32 $0x10200, s19;
	v0 =	vld [tilespmem:s20+$0x30]  }
0x51: {  	v1 =	vld [tilespmem:s20+$0xFFFFFFD0]  }
0x52: {  	s19 =	sshrl.u32 s19, $0x2;
	v5 =	vld [tilespmem:s20+$0xFFFFFFE0]  }
0x53: {  	v6 =	vld [tilespmem:s20+$0xFFFFFFF0];
	s22 =	sor.u32 $0x8000, s19  }
0x54: {  	s31 =	sand.u32 $0x1, s15;
	v4 =	vld [tilespmem:s20+$0x0];
	s21 =	sadd.s32 $0x0, s22  }
0x55: {  	v3 =	vld [tilespmem:s20+$0x10];
	s19 =	smul.u32 $0x10200, s31;
	[tilespmem:s21+$0x3870 ss:$0x81] =	vst.msk $0xffff, v0  }
0x56: {  	v2 =	vld [tilespmem:s20+$0x20];
	[tilespmem:s21+$0x810 ss:$0x81] =	vst.msk $0xffff, v1  }
0x57: {  	s19 =	sshrl.u32 s19, $0x2;
	v1 =	vld [tilespmem:s20+$0xFFFFFFC0];
	[tilespmem:s21+$0x1020 ss:$0x81] =	vst.msk $0xffff, v5;
	s20 =	sadd.s32 $0x80, s20  }
0x58: {  	s23 =	simm.s32 $0x4;
	s24 =	simm.s32 $0x8;
	s19 =	sor.u32 $0x8000, s19;
	[tilespmem:s21+$0x1830 ss:$0x81] =	vst.msk $0xffff, v6;
	v0 =	vld [tilespmem:s20+$0x30]  }
.LBB1_3:
0x59: {  	p1 =	sne.s32 s24, $0x1FC;
	v5 =	vld [tilespmem:s20+$0xFFFFFFD0];
	[tilespmem:s21+$0x2040 ss:$0x81] =	vst.msk $0xffff, v4  }
0x5a: {  	v6 =	vld [tilespmem:s20+$0xFFFFFFE0];
	[tilespmem:s21+$0x2850 ss:$0x81] =	vst.msk $0xffff, v3  }
0x5b: {  	s25 =	sshra.s32 s23, $0x2;
	s23 =	smov.u32 s24;
	v7 =	vld [tilespmem:s20+$0xFFFFFFF0];
	[tilespmem:s21+$0x3060 ss:$0x81] =	vst.msk $0xffff, v2  }
.Ltmp3:
0x5c: {  	v4 =	vld [tilespmem:s20+$0x0];
	[tilespmem:s21+$0x0 ss:$0x81] =	vst.msk $0xffff, v1;
	s21 =	sadd.s32 s25, s22;
	(pc) =	sbr.rel @p1 .LBB1_3-.Ltmp3, $4  }
0x5d: {  	v3 =	vld [tilespmem:s20+$0x10];
	[tilespmem:s21+$0x3870 ss:$0x81] =	vst.msk $0xffff, v0  }
0x5e: {  	[tilespmem:s21+$0x810 ss:$0x81] =	vst.msk $0xffff, v5;
	v2 =	vld [tilespmem:s20+$0x20]  }
0x5f: {  	v1 =	vld [tilespmem:s20+$0xFFFFFFC0];
	[tilespmem:s21+$0x1020 ss:$0x81] =	vst.msk $0xffff, v6;
	s20 =	sadd.s32 $0x80, s20  }
0x60: {  	s24 =	sadd.s32 $0x4, s24;
	v0 =	vld [tilespmem:s20+$0x30];
	[tilespmem:s21+$0x1830 ss:$0x81] =	vst.msk $0xffff, v7  }
.Ltmp4:
0x61: {  	_ = 	snop;
	(pc) =	sbr.rel .LBB1_4-.Ltmp4, $1  }
0x62: {  	_ =	sdelay $0x3  }
.LBB1_6:
0x63: {  	_ =	sfence.sel $0x180000  }
0x64: {  	s2 =	simm.s32 $0x1;
	[bflag:$0x0] =	sbarrier.arrive $0xFFFF  }
0x65: {  	s31 =	simm.s32 $0x2;
	[sflag:s2] =	ssyncpa.u1 $0x1  }
0x66: {  	[sflag:s31] =	ssyncpa.u1 $0x1  }
0x67: {  	p0 =	sne.s32 s0, $0x0;
	_ =	strace $0x90000047  }
0x68: {  	s0 =	sadd.s32 @!p0 $0x100000, s1;
	[bflag:$0x2] =	sbarrier.arrive $0xFFFF  }
0x69: {  	[sflag:s0] =	ssyncadd.tile.s32 @!p0 $0x1;
	_ =	shalt  }
.Lfunc_end1:
_tile_overlayer_lowered:
.L_overlay_start_2:
0x6a: {  	(tag) =	ssettag $0x2  }
0x6b: {  	s0 =	rddreg [dreg:$0x0];
	s2 =	stileid.u32  }
0x6c: {  	s1 =	rddreg [dreg:$0x1];
	p0 =	sne.s32 s2, $0x0  }
0x6d: {  	s3 =	rddreg [dreg:$0x2];
	[bflag:$0x3] =	sbarrier.arrive $0xFFFF;
	s2 =	simm.s32 @!p0 $0x1C01  }
0x6e: {  	[timem:s3], [sflag:s2] =	dma.local @!p0 [hbm:s0], s1  }
0x6f: {  	s0 =	simm.s32 @!p0 $0x1  }
0x70: {  	_ =	swait.ge @!p0 [sflag:s0], s1  }
0x71: {  	s1 =	ssub.s32 @!p0 $0x0, s1;
	[sflag:s0] =	ssyncset.done @!p0 $0x0  }
0x72: {  	[sflag:s0] =	ssyncadd.s32 @!p0 s1  }
0x73: {  	[bflag:$0x3] =	sbarrier.arrive $0xFFFF  }
0x74: {  	_ =	shalt  }

</sc_bundles>
